<compile_context>
chip_gen: v7x
topology: tpu7x:2x2x1
jax: 0.10.2.dev20260603
libtpu: 0.0.44.dev20260713+nightly
codegen_flags: <defaults>
</compile_context>

<pallas_src>
import functools

import jax
import jax.numpy as jnp
from jax import lax
from jax.experimental import pallas as pl
from jax.experimental.pallas import tpu as pltpu
from jax.experimental.pallas import tpu_sc as plsc

N = 10000
F = 128
E = 320000
T = 4
NS = 5000

NC = 2
NSUB = 16
NW = NC * NSUB
CHUNK = 128
CPW = 80
EPW = CHUNK * CPW
EPAD = NW * EPW
ACC_ROWS = 10240
RPT = ACC_ROWS // NSUB
BM = 1000
NB = N // BM


def _idx_body(s_ref, t_ref, o_ref):
    o_ref[...] = t_ref[...] * N + s_ref[...]


def _compute_gidx(src_p, typ_p):
    return pl.pallas_call(
        _idx_body,
        out_shape=jax.ShapeDtypeStruct((EPAD // 128, 128), jnp.int32),
    )(src_p.reshape(EPAD // 128, 128), typ_p.reshape(EPAD // 128, 128))


def _mm_body(x_ref, w_ref, o_ref):
    o_ref[0] = lax.dot_general(
        x_ref[...], w_ref[0], (((1,), (1,)), ((), ())),
        preferred_element_type=jnp.float32)


def _transform(x, w_all):
    return pl.pallas_call(
        _mm_body,
        grid=(5, NB),
        in_specs=[
            pl.BlockSpec((BM, F), lambda w, j: (j, 0)),
            pl.BlockSpec((1, F, F), lambda w, j: (w, 0, 0)),
        ],
        out_specs=pl.BlockSpec((1, BM, F), lambda w, j: (w, j, 0)),
        out_shape=jax.ShapeDtypeStruct((5, N, F), jnp.float32),
    )(x, w_all)


def _combine_mm_body(z_ref, acc_ref, bias_ref, w_ref, o_ref, h_ref):
    w = pl.program_id(1)

    @pl.when(w == 0)
    def _():
        h = z_ref[0] + acc_ref[0] + acc_ref[1] + bias_ref[0, 0]
        h_ref[...] = jnp.clip(h, 0.0, 1.0)

    o_ref[0] = lax.dot_general(
        h_ref[...], w_ref[0], (((1,), (1,)), ((), ())),
        preferred_element_type=jnp.float32)


def _combine_transform(z, acc, bias2, w_all):
    return pl.pallas_call(
        _combine_mm_body,
        grid=(NB, 5),
        in_specs=[
            pl.BlockSpec((1, BM, F), lambda j, w: (4, j, 0)),
            pl.BlockSpec((2, BM, F), lambda j, w: (0, j, 0)),
            pl.BlockSpec((1, 8, F), lambda j, w: (j // (NS // BM), 0, 0)),
            pl.BlockSpec((1, F, F), lambda j, w: (w, 0, 0)),
        ],
        out_specs=pl.BlockSpec((1, BM, F), lambda j, w: (w, j, 0)),
        out_shape=jax.ShapeDtypeStruct((5, N, F), jnp.float32),
        scratch_shapes=[pltpu.VMEM((BM, F), jnp.float32)],
    )(z, acc, bias2, w_all)


def _final_body(z_ref, acc_ref, bias_ref, o_ref):
    h = z_ref[0] + acc_ref[0] + acc_ref[1] + bias_ref[0, 0]
    o_ref[...] = jnp.clip(h, 0.0, 1.0)


def _final_combine(z, acc, bias2):
    return pl.pallas_call(
        _final_body,
        grid=(NB,),
        in_specs=[
            pl.BlockSpec((1, BM, F), lambda j: (4, j, 0)),
            pl.BlockSpec((2, BM, F), lambda j: (0, j, 0)),
            pl.BlockSpec((1, 8, F), lambda j: (j // (NS // BM), 0, 0)),
        ],
        out_specs=pl.BlockSpec((BM, F), lambda j: (j, 0)),
        out_shape=jax.ShapeDtypeStruct((N, F), jnp.float32),
    )(z, acc, bias2)


def _sc_agg_body(tbl_hbm, g_hbm, d_hbm, out_hbm, g_v, d_v, rows0,
                 acc_sh, sem0):
    cid = lax.axis_index("c")
    sid = lax.axis_index("s")
    wid = sid * NC + cid

    pltpu.sync_copy(g_hbm.at[wid], g_v)
    pltpu.sync_copy(d_hbm.at[wid], d_v)

    zero16 = jnp.zeros((16,), jnp.float32)

    def zrow(i, c):
        for l in range(F // 16):
            rows0[i, pl.ds(l * 16, 16)] = zero16
        return c

    lax.fori_loop(0, CHUNK, zrow, 0)
    for k in range(RPT // CHUNK):
        pltpu.sync_copy(rows0, acc_sh.at[pl.ds(sid * RPT + k * CHUNK, CHUNK)])

    plsc.subcore_barrier()

    def chunk(j, c):
        pltpu.async_copy(tbl_hbm.at[g_v.at[j]], rows0, sem0).wait()
        pltpu.sync_copy(rows0, acc_sh.at[d_v.at[j]], add=True)
        return c

    lax.fori_loop(0, CPW, chunk, 0)

    plsc.subcore_barrier()
    pltpu.sync_copy(acc_sh.at[pl.ds(sid * RPT, RPT)],
                    out_hbm.at[cid, pl.ds(sid * RPT, RPT)])


def _sc_agg(table, g3, d3):
    mesh = plsc.VectorSubcoreMesh(core_axis_name="c", subcore_axis_name="s")
    f = functools.partial(
        pl.kernel,
        mesh=mesh,
        out_type=jax.ShapeDtypeStruct((NC, ACC_ROWS, F), jnp.float32),
        scratch_types=[
            pltpu.VMEM((CPW, CHUNK), jnp.int32),
            pltpu.VMEM((CPW, CHUNK), jnp.int32),
            pltpu.VMEM((CHUNK, F), jnp.float32),
            pltpu.VMEM_SHARED((ACC_ROWS, F), jnp.float32),
            pltpu.SemaphoreType.DMA,
        ],
    )(_sc_agg_body)
    return f(table, g3, d3)


def kernel(x, edge_index, edge_type, A1, B1, bs1, bp1, A2, B2, bs2, bp2):
    src = edge_index[0]
    dst = edge_index[1]
    pad = EPAD - E
    src_p = jnp.concatenate([src, jnp.zeros((pad,), jnp.int32)])
    typ_p = jnp.concatenate([edge_type, jnp.zeros((pad,), jnp.int32)])
    dst_p = jnp.concatenate([dst, jnp.full((pad,), N, jnp.int32)])

    g3 = _compute_gidx(src_p, typ_p).reshape(NW, CPW, CHUNK)
    d3 = dst_p.reshape(NW, CPW, CHUNK)

    w1 = jnp.concatenate([B1, A1[None]], axis=0)
    w2 = jnp.concatenate([B2, A2[None]], axis=0)
    bias1 = jnp.stack([jnp.broadcast_to(bs1, (8, F)),
                       jnp.broadcast_to(bp1, (8, F))])
    bias2 = jnp.stack([jnp.broadcast_to(bs2, (8, F)),
                       jnp.broadcast_to(bp2, (8, F))])

    z1 = _transform(x, w1)
    acc1 = _sc_agg(z1.reshape(5 * N, F), g3, d3)
    z2 = _combine_transform(z1, acc1, bias1, w2)
    acc2 = _sc_agg(z2.reshape(5 * N, F), g3, d3)
    return _final_combine(z2, acc2, bias2)

# --- scband reference (transcript-rebuilt; emitter-appended) ---
"""Pipeline reference for scband-gnn-59330678227224 (READ-ONLY COPY).

The authoritative reference and input builder live on the scoring server;
editing this copy changes nothing except your own understanding.
"""

import jax, jax.numpy as jnp
import numpy as np

N = 10000
F = 128
E = 320000
T = 4
NS = 5000


def setup_inputs(seed: int = 0) -> dict:
    key = jax.random.key(seed)
    ks = jax.random.split(key, 12)
    x = jax.random.normal(ks[0], (N, F), dtype=jnp.float32)
    edge_index = jax.random.randint(ks[1], (2, E), 0, N, dtype=jnp.int32)
    edge_type = jax.random.randint(ks[2], (E,), 0, T, dtype=jnp.int32)
    A1 = jax.random.normal(ks[3], (F, F), dtype=jnp.float32) * 0.01
    B1 = jax.random.normal(ks[4], (T, F, F), dtype=jnp.float32) * 0.01
    bs1 = jax.random.normal(ks[5], (F,), dtype=jnp.float32) * 0.001
    bp1 = jax.random.normal(ks[6], (F,), dtype=jnp.float32) * 0.001
    A2 = jax.random.normal(ks[7], (F, F), dtype=jnp.float32) * 0.01
    B2 = jax.random.normal(ks[8], (T, F, F), dtype=jnp.float32) * 0.01
    bs2 = jax.random.normal(ks[9], (F,), dtype=jnp.float32) * 0.001
    bp2 = jax.random.normal(ks[10], (F,), dtype=jnp.float32) * 0.001
    return {"x": x, "edge_index": edge_index, "edge_type": edge_type,
            "A1": A1, "B1": B1, "bs1": bs1, "bp1": bp1,
            "A2": A2, "B2": B2, "bs2": bs2, "bp2": bp2}


def _ec_gcn_conv(x, A, B, bias_single, bias_pair, edge_index, edge_type):
    # out = F.linear(x, A) = x @ A.T
    out = x @ A.T
    src = edge_index[0]
    dst = edge_index[1]
    x_src = x[src]  # gather source-node features per edge
    for i in range(T):
        mask = (edge_type == i).astype(x.dtype)[:, None]
        msg_e = x_src * mask  # zero out edges of other types
        agg = jax.ops.segment_sum(msg_e, dst, num_segments=N)  # scatter-add by dst
        out = out + agg @ B[i].T
    out = out.at[:NS].add(bias_single)
    out = out.at[NS:].add(bias_pair)
    return jnp.clip(out, 0.0, 1.0)  # clipped_relu


def reference(x, edge_index, edge_type, A1, B1, bs1, bp1, A2, B2, bs2, bp2):
    h = _ec_gcn_conv(x, A1, B1, bs1, bp1, edge_index, edge_type)
    # dropout p=0.0 / eval mode -> identity
    out = _ec_gcn_conv(h, A2, B2, bs2, bp2, edge_index, edge_type)
    return out

if __name__ == "__main__":
    import jax
    _d = setup_inputs()
    print(jax.jit(kernel)(*tuple(_d.values())))

</pallas_src>

<mosaic_0001>
#map = affine_map<(d0, d1) -> (0, 0)>
#map1 = affine_map<(d0, d1) -> (0, 0, 0)>
module attributes {stable_mosaic.version = 14 : i64} {
  func.func @_sc_agg_body(%arg0: i32, %arg1: i32, %arg2: memref<50000x128xf32, #tpu.memory_space<hbm>>, %arg3: memref<32x80x128xi32, #tpu.memory_space<hbm>>, %arg4: memref<32x80x128xi32, #tpu.memory_space<hbm>>, %arg5: memref<2x10240x128xf32, #tpu.memory_space<hbm>>, %arg6: memref<80x128xi32, #tpu.memory_space<vmem>>, %arg7: memref<80x128xi32, #tpu.memory_space<vmem>>, %arg8: memref<128x128xf32, #tpu.memory_space<vmem>>, %arg9: memref<10240x128xf32, #tpu.memory_space<vmem_shared>>, %arg10: memref<!tpu.dma_semaphore, #tpu.memory_space<semaphore_mem>>) attributes {dimension_semantics = [#tpu.dimension_semantics<core_parallel>, #tpu.dimension_semantics<subcore_parallel>], iteration_bounds = array<i64: 2, 16>, scalar_prefetch = 0 : i64, scratch_operands = 5 : i64, tpu.core_type = #tpu.core_type<sc_vector_subcore>, window_params = [{transform_indices = #map}, {transform_indices = #map1}, {transform_indices = #map1}, {transform_indices = #map1}]} {
    %mul3A = arith.constant 2 : i32
    %mul3A_0 = arith.muli %arg1, %mul3A : i32
    %add3A = arith.addi %mul3A_0, %arg0 : i32
    "tpu.region"() ({
      %run_scoped3A = tpu.sem_alloc : memref<!tpu.dma_semaphore, #tpu.memory_space<semaphore_mem>>
      %dma_start3A = arith.constant 0 : i32
      %dma_start3A_38 = arith.constant 0 : i32
      %dma_start3A_39 = tpu.memref_slice %arg3[%add3A, %dma_start3A, %dma_start3A_38] : memref<32x80x128xi32, #tpu.memory_space<hbm>> -> memref<1x80x128xi32, #tpu.memory_space<hbm>>
      %dma_start3A_40 = tpu.memref_squeeze %dma_start3A_39 : memref<1x80x128xi32, #tpu.memory_space<hbm>> -> memref<80x128xi32, #tpu.memory_space<hbm>>
      %dma_start3A_41 = arith.constant 0 : i32
      %dma_start3A_42 = arith.constant 0 : i32
      %dma_start3A_43 = tpu.memref_slice %arg3[%add3A, %dma_start3A_41, %dma_start3A_42] : memref<32x80x128xi32, #tpu.memory_space<hbm>> -> memref<1x80x128xi32, #tpu.memory_space<hbm>>
      %dma_start3A_44 = tpu.memref_squeeze %dma_start3A_43 : memref<1x80x128xi32, #tpu.memory_space<hbm>> -> memref<80x128xi32, #tpu.memory_space<hbm>>
      tpu.enqueue_dma source(%dma_start3A_44 : memref<80x128xi32, #tpu.memory_space<hbm>>) target(%arg6 : memref<80x128xi32, #tpu.memory_space<vmem>>) target_semaphore(%run_scoped3A : memref<!tpu.dma_semaphore, #tpu.memory_space<semaphore_mem>>)
      %dma_wait3A = arith.constant 0 : i32
      %dma_wait3A_45 = arith.constant 0 : i32
      %dma_wait3A_46 = tpu.memref_slice %arg3[%add3A, %dma_wait3A, %dma_wait3A_45] : memref<32x80x128xi32, #tpu.memory_space<hbm>> -> memref<1x80x128xi32, #tpu.memory_space<hbm>>
      %dma_wait3A_47 = tpu.memref_squeeze %dma_wait3A_46 : memref<1x80x128xi32, #tpu.memory_space<hbm>> -> memref<80x128xi32, #tpu.memory_space<hbm>>
      %dma_wait3A_48 = arith.constant 0 : i32
      %dma_wait3A_49 = arith.constant 0 : i32
      %dma_wait3A_50 = tpu.memref_slice %arg3[%add3A, %dma_wait3A_48, %dma_wait3A_49] : memref<32x80x128xi32, #tpu.memory_space<hbm>> -> memref<1x80x128xi32, #tpu.memory_space<hbm>>
      %dma_wait3A_51 = tpu.memref_squeeze %dma_wait3A_50 : memref<1x80x128xi32, #tpu.memory_space<hbm>> -> memref<80x128xi32, #tpu.memory_space<hbm>>
      tpu.wait_dma2 semaphore(%run_scoped3A : memref<!tpu.dma_semaphore, #tpu.memory_space<semaphore_mem>>) src(%dma_wait3A_51 : memref<80x128xi32, #tpu.memory_space<hbm>>) dst(%arg6 : memref<80x128xi32, #tpu.memory_space<vmem>>)
      tpu.yield
    }) : () -> ()
    "tpu.region"() ({
      %run_scoped3A = tpu.sem_alloc : memref<!tpu.dma_semaphore, #tpu.memory_space<semaphore_mem>>
      %dma_start3A = arith.constant 0 : i32
      %dma_start3A_38 = arith.constant 0 : i32
      %dma_start3A_39 = tpu.memref_slice %arg4[%add3A, %dma_start3A, %dma_start3A_38] : memref<32x80x128xi32, #tpu.memory_space<hbm>> -> memref<1x80x128xi32, #tpu.memory_space<hbm>>
      %dma_start3A_40 = tpu.memref_squeeze %dma_start3A_39 : memref<1x80x128xi32, #tpu.memory_space<hbm>> -> memref<80x128xi32, #tpu.memory_space<hbm>>
      %dma_start3A_41 = arith.constant 0 : i32
      %dma_start3A_42 = arith.constant 0 : i32
      %dma_start3A_43 = tpu.memref_slice %arg4[%add3A, %dma_start3A_41, %dma_start3A_42] : memref<32x80x128xi32, #tpu.memory_space<hbm>> -> memref<1x80x128xi32, #tpu.memory_space<hbm>>
      %dma_start3A_44 = tpu.memref_squeeze %dma_start3A_43 : memref<1x80x128xi32, #tpu.memory_space<hbm>> -> memref<80x128xi32, #tpu.memory_space<hbm>>
      tpu.enqueue_dma source(%dma_start3A_44 : memref<80x128xi32, #tpu.memory_space<hbm>>) target(%arg7 : memref<80x128xi32, #tpu.memory_space<vmem>>) target_semaphore(%run_scoped3A : memref<!tpu.dma_semaphore, #tpu.memory_space<semaphore_mem>>)
      %dma_wait3A = arith.constant 0 : i32
      %dma_wait3A_45 = arith.constant 0 : i32
      %dma_wait3A_46 = tpu.memref_slice %arg4[%add3A, %dma_wait3A, %dma_wait3A_45] : memref<32x80x128xi32, #tpu.memory_space<hbm>> -> memref<1x80x128xi32, #tpu.memory_space<hbm>>
      %dma_wait3A_47 = tpu.memref_squeeze %dma_wait3A_46 : memref<1x80x128xi32, #tpu.memory_space<hbm>> -> memref<80x128xi32, #tpu.memory_space<hbm>>
      %dma_wait3A_48 = arith.constant 0 : i32
      %dma_wait3A_49 = arith.constant 0 : i32
      %dma_wait3A_50 = tpu.memref_slice %arg4[%add3A, %dma_wait3A_48, %dma_wait3A_49] : memref<32x80x128xi32, #tpu.memory_space<hbm>> -> memref<1x80x128xi32, #tpu.memory_space<hbm>>
      %dma_wait3A_51 = tpu.memref_squeeze %dma_wait3A_50 : memref<1x80x128xi32, #tpu.memory_space<hbm>> -> memref<80x128xi32, #tpu.memory_space<hbm>>
      tpu.wait_dma2 semaphore(%run_scoped3A : memref<!tpu.dma_semaphore, #tpu.memory_space<semaphore_mem>>) src(%dma_wait3A_51 : memref<80x128xi32, #tpu.memory_space<hbm>>) dst(%arg7 : memref<80x128xi32, #tpu.memory_space<vmem>>)
      tpu.yield
    }) : () -> ()
    %broadcast_in_dim3A = arith.constant 0.000000e+00 : f32
    %broadcast_in_dim3A_1 = vector.broadcast %broadcast_in_dim3A : f32 to vector<16xf32>
    %scan3A = arith.constant 0 : i32
    %scan3A_2 = arith.constant 0 : i32
    %scan3A_3 = arith.constant 128 : i32
    %scan3A_4 = arith.addi %scan3A_2, %scan3A_3 : i32
    %scan3A_5 = arith.constant 1 : i32
    scf.for %scan3A_38 = %scan3A_2 to %scan3A_4 step %scan3A_5  : i32 {
      %swap3A = arith.index_cast %scan3A_38 : i32 to index
      %swap3A_39 = arith.constant 0 : index
      %swap3A_40 = tpu.vector_load %arg8[%swap3A, %swap3A_39] {strides = array<i32>} : memref<128x128xf32, #tpu.memory_space<vmem>>, vector<1x16xf32>,
      %swap3A_41 = vector.shape_cast %swap3A_40 : vector<1x16xf32> to vector<16xf32>
      %swap3A_42 = vector.shape_cast %broadcast_in_dim3A_1 : vector<16xf32> to vector<1x16xf32>
      tpu.vector_store %arg8[%swap3A, %swap3A_39], %swap3A_42 {strides = array<i32>} : memref<128x128xf32, #tpu.memory_space<vmem>>, vector<1x16xf32>,
      %swap3A_43 = arith.index_cast %scan3A_38 : i32 to index
      %swap3A_44 = arith.constant 16 : index
      %swap3A_45 = tpu.vector_load %arg8[%swap3A_43, %swap3A_44] {strides = array<i32>} : memref<128x128xf32, #tpu.memory_space<vmem>>, vector<1x16xf32>,
      %swap3A_46 = vector.shape_cast %swap3A_45 : vector<1x16xf32> to vector<16xf32>
      %swap3A_47 = vector.shape_cast %broadcast_in_dim3A_1 : vector<16xf32> to vector<1x16xf32>
      tpu.vector_store %arg8[%swap3A_43, %swap3A_44], %swap3A_47 {strides = array<i32>} : memref<128x128xf32, #tpu.memory_space<vmem>>, vector<1x16xf32>,
      %swap3A_48 = arith.index_cast %scan3A_38 : i32 to index
      %swap3A_49 = arith.constant 32 : index
      %swap3A_50 = tpu.vector_load %arg8[%swap3A_48, %swap3A_49] {strides = array<i32>} : memref<128x128xf32, #tpu.memory_space<vmem>>, vector<1x16xf32>,
      %swap3A_51 = vector.shape_cast %swap3A_50 : vector<1x16xf32> to vector<16xf32>
      %swap3A_52 = vector.shape_cast %broadcast_in_dim3A_1 : vector<16xf32> to vector<1x16xf32>
      tpu.vector_store %arg8[%swap3A_48, %swap3A_49], %swap3A_52 {strides = array<i32>} : memref<128x128xf32, #tpu.memory_space<vmem>>, vector<1x16xf32>,
      %swap3A_53 = arith.index_cast %scan3A_38 : i32 to index
      %swap3A_54 = arith.constant 48 : index
      %swap3A_55 = tpu.vector_load %arg8[%swap3A_53, %swap3A_54] {strides = array<i32>} : memref<128x128xf32, #tpu.memory_space<vmem>>, vector<1x16xf32>,
      %swap3A_56 = vector.shape_cast %swap3A_55 : vector<1x16xf32> to vector<16xf32>
      %swap3A_57 = vector.shape_cast %broadcast_in_dim3A_1 : vector<16xf32> to vector<1x16xf32>
      tpu.vector_store %arg8[%swap3A_53, %swap3A_54], %swap3A_57 {strides = array<i32>} : memref<128x128xf32, #tpu.memory_space<vmem>>, vector<1x16xf32>,
      %swap3A_58 = arith.index_cast %scan3A_38 : i32 to index
      %swap3A_59 = arith.constant 64 : index
      %swap3A_60 = tpu.vector_load %arg8[%swap3A_58, %swap3A_59] {strides = array<i32>} : memref<128x128xf32, #tpu.memory_space<vmem>>, vector<1x16xf32>,
      %swap3A_61 = vector.shape_cast %swap3A_60 : vector<1x16xf32> to vector<16xf32>
      %swap3A_62 = vector.shape_cast %broadcast_in_dim3A_1 : vector<16xf32> to vector<1x16xf32>
      tpu.vector_store %arg8[%swap3A_58, %swap3A_59], %swap3A_62 {strides = array<i32>} : memref<128x128xf32, #tpu.memory_space<vmem>>, vector<1x16xf32>,
      %swap3A_63 = arith.index_cast %scan3A_38 : i32 to index
      %swap3A_64 = arith.constant 80 : index
      %swap3A_65 = tpu.vector_load %arg8[%swap3A_63, %swap3A_64] {strides = array<i32>} : memref<128x128xf32, #tpu.memory_space<vmem>>, vector<1x16xf32>,
      %swap3A_66 = vector.shape_cast %swap3A_65 : vector<1x16xf32> to vector<16xf32>
      %swap3A_67 = vector.shape_cast %broadcast_in_dim3A_1 : vector<16xf32> to vector<1x16xf32>
      tpu.vector_store %arg8[%swap3A_63, %swap3A_64], %swap3A_67 {strides = array<i32>} : memref<128x128xf32, #tpu.memory_space<vmem>>, vector<1x16xf32>,
      %swap3A_68 = arith.index_cast %scan3A_38 : i32 to index
      %swap3A_69 = arith.constant 96 : index
      %swap3A_70 = tpu.vector_load %arg8[%swap3A_68, %swap3A_69] {strides = array<i32>} : memref<128x128xf32, #tpu.memory_space<vmem>>, vector<1x16xf32>,
      %swap3A_71 = vector.shape_cast %swap3A_70 : vector<1x16xf32> to vector<16xf32>
      %swap3A_72 = vector.shape_cast %broadcast_in_dim3A_1 : vector<16xf32> to vector<1x16xf32>
      tpu.vector_store %arg8[%swap3A_68, %swap3A_69], %swap3A_72 {strides = array<i32>} : memref<128x128xf32, #tpu.memory_space<vmem>>, vector<1x16xf32>,
      %swap3A_73 = arith.index_cast %scan3A_38 : i32 to index
      %swap3A_74 = arith.constant 112 : index
      %swap3A_75 = tpu.vector_load %arg8[%swap3A_73, %swap3A_74] {strides = array<i32>} : memref<128x128xf32, #tpu.memory_space<vmem>>, vector<1x16xf32>,
      %swap3A_76 = vector.shape_cast %swap3A_75 : vector<1x16xf32> to vector<16xf32>
      %swap3A_77 = vector.shape_cast %broadcast_in_dim3A_1 : vector<16xf32> to vector<1x16xf32>
      tpu.vector_store %arg8[%swap3A_73, %swap3A_74], %swap3A_77 {strides = array<i32>} : memref<128x128xf32, #tpu.memory_space<vmem>>, vector<1x16xf32>,
    }
    %scan3A_6 = arith.constant 128 : i32
    %mul3A_7 = arith.constant 640 : i32
    %mul3A_8 = arith.muli %arg1, %mul3A_7 : i32
    %add3A_9 = arith.constant 0 : i32
    %add3A_10 = arith.addi %mul3A_8, %add3A_9 : i32
    "tpu.region"() ({
      %run_scoped3A = tpu.sem_alloc : memref<!tpu.dma_semaphore, #tpu.memory_space<semaphore_mem>>
      %dma_start3A = arith.constant 0 : i32
      %dma_start3A_38 = tpu.memref_slice %arg9[%add3A_10, %dma_start3A] : memref<10240x128xf32, #tpu.memory_space<vmem_shared>> -> memref<128x128xf32, #tpu.memory_space<vmem_shared>>
      %dma_start3A_39 = arith.constant 0 : i32
      %dma_start3A_40 = tpu.memref_slice %arg9[%add3A_10, %dma_start3A_39] : memref<10240x128xf32, #tpu.memory_space<vmem_shared>> -> memref<128x128xf32, #tpu.memory_space<vmem_shared>>
      tpu.enqueue_dma source(%arg8 : memref<128x128xf32, #tpu.memory_space<vmem>>) target(%dma_start3A_40 : memref<128x128xf32, #tpu.memory_space<vmem_shared>>) target_semaphore(%run_scoped3A : memref<!tpu.dma_semaphore, #tpu.memory_space<semaphore_mem>>)
      %dma_wait3A = arith.constant 0 : i32
      %dma_wait3A_41 = tpu.memref_slice %arg9[%add3A_10, %dma_wait3A] : memref<10240x128xf32, #tpu.memory_space<vmem_shared>> -> memref<128x128xf32, #tpu.memory_space<vmem_shared>>
      %dma_wait3A_42 = arith.constant 0 : i32
      %dma_wait3A_43 = tpu.memref_slice %arg9[%add3A_10, %dma_wait3A_42] : memref<10240x128xf32, #tpu.memory_space<vmem_shared>> -> memref<128x128xf32, #tpu.memory_space<vmem_shared>>
      tpu.wait_dma2 semaphore(%run_scoped3A : memref<!tpu.dma_semaphore, #tpu.memory_space<semaphore_mem>>) src(%arg8 : memref<128x128xf32, #tpu.memory_space<vmem>>) dst(%dma_wait3A_43 : memref<128x128xf32, #tpu.memory_space<vmem_shared>>)
      tpu.yield
    }) : () -> ()
    %mul3A_11 = arith.constant 640 : i32
    %mul3A_12 = arith.muli %arg1, %mul3A_11 : i32
    %add3A_13 = arith.constant 128 : i32
    %add3A_14 = arith.addi %mul3A_12, %add3A_13 : i32
    "tpu.region"() ({
      %run_scoped3A = tpu.sem_alloc : memref<!tpu.dma_semaphore, #tpu.memory_space<semaphore_mem>>
      %dma_start3A = arith.constant 0 : i32
      %dma_start3A_38 = tpu.memref_slice %arg9[%add3A_14, %dma_start3A] : memref<10240x128xf32, #tpu.memory_space<vmem_shared>> -> memref<128x128xf32, #tpu.memory_space<vmem_shared>>
      %dma_start3A_39 = arith.constant 0 : i32
      %dma_start3A_40 = tpu.memref_slice %arg9[%add3A_14, %dma_start3A_39] : memref<10240x128xf32, #tpu.memory_space<vmem_shared>> -> memref<128x128xf32, #tpu.memory_space<vmem_shared>>
      tpu.enqueue_dma source(%arg8 : memref<128x128xf32, #tpu.memory_space<vmem>>) target(%dma_start3A_40 : memref<128x128xf32, #tpu.memory_space<vmem_shared>>) target_semaphore(%run_scoped3A : memref<!tpu.dma_semaphore, #tpu.memory_space<semaphore_mem>>)
      %dma_wait3A = arith.constant 0 : i32
      %dma_wait3A_41 = tpu.memref_slice %arg9[%add3A_14, %dma_wait3A] : memref<10240x128xf32, #tpu.memory_space<vmem_shared>> -> memref<128x128xf32, #tpu.memory_space<vmem_shared>>
      %dma_wait3A_42 = arith.constant 0 : i32
      %dma_wait3A_43 = tpu.memref_slice %arg9[%add3A_14, %dma_wait3A_42] : memref<10240x128xf32, #tpu.memory_space<vmem_shared>> -> memref<128x128xf32, #tpu.memory_space<vmem_shared>>
      tpu.wait_dma2 semaphore(%run_scoped3A : memref<!tpu.dma_semaphore, #tpu.memory_space<semaphore_mem>>) src(%arg8 : memref<128x128xf32, #tpu.memory_space<vmem>>) dst(%dma_wait3A_43 : memref<128x128xf32, #tpu.memory_space<vmem_shared>>)
      tpu.yield
    }) : () -> ()
    %mul3A_15 = arith.constant 640 : i32
    %mul3A_16 = arith.muli %arg1, %mul3A_15 : i32
    %add3A_17 = arith.constant 256 : i32
    %add3A_18 = arith.addi %mul3A_16, %add3A_17 : i32
    "tpu.region"() ({
      %run_scoped3A = tpu.sem_alloc : memref<!tpu.dma_semaphore, #tpu.memory_space<semaphore_mem>>
      %dma_start3A = arith.constant 0 : i32
      %dma_start3A_38 = tpu.memref_slice %arg9[%add3A_18, %dma_start3A] : memref<10240x128xf32, #tpu.memory_space<vmem_shared>> -> memref<128x128xf32, #tpu.memory_space<vmem_shared>>
      %dma_start3A_39 = arith.constant 0 : i32
      %dma_start3A_40 = tpu.memref_slice %arg9[%add3A_18, %dma_start3A_39] : memref<10240x128xf32, #tpu.memory_space<vmem_shared>> -> memref<128x128xf32, #tpu.memory_space<vmem_shared>>
      tpu.enqueue_dma source(%arg8 : memref<128x128xf32, #tpu.memory_space<vmem>>) target(%dma_start3A_40 : memref<128x128xf32, #tpu.memory_space<vmem_shared>>) target_semaphore(%run_scoped3A : memref<!tpu.dma_semaphore, #tpu.memory_space<semaphore_mem>>)
      %dma_wait3A = arith.constant 0 : i32
      %dma_wait3A_41 = tpu.memref_slice %arg9[%add3A_18, %dma_wait3A] : memref<10240x128xf32, #tpu.memory_space<vmem_shared>> -> memref<128x128xf32, #tpu.memory_space<vmem_shared>>
      %dma_wait3A_42 = arith.constant 0 : i32
      %dma_wait3A_43 = tpu.memref_slice %arg9[%add3A_18, %dma_wait3A_42] : memref<10240x128xf32, #tpu.memory_space<vmem_shared>> -> memref<128x128xf32, #tpu.memory_space<vmem_shared>>
      tpu.wait_dma2 semaphore(%run_scoped3A : memref<!tpu.dma_semaphore, #tpu.memory_space<semaphore_mem>>) src(%arg8 : memref<128x128xf32, #tpu.memory_space<vmem>>) dst(%dma_wait3A_43 : memref<128x128xf32, #tpu.memory_space<vmem_shared>>)
      tpu.yield
    }) : () -> ()
    %mul3A_19 = arith.constant 640 : i32
    %mul3A_20 = arith.muli %arg1, %mul3A_19 : i32
    %add3A_21 = arith.constant 384 : i32
    %add3A_22 = arith.addi %mul3A_20, %add3A_21 : i32
    "tpu.region"() ({
      %run_scoped3A = tpu.sem_alloc : memref<!tpu.dma_semaphore, #tpu.memory_space<semaphore_mem>>
      %dma_start3A = arith.constant 0 : i32
      %dma_start3A_38 = tpu.memref_slice %arg9[%add3A_22, %dma_start3A] : memref<10240x128xf32, #tpu.memory_space<vmem_shared>> -> memref<128x128xf32, #tpu.memory_space<vmem_shared>>
      %dma_start3A_39 = arith.constant 0 : i32
      %dma_start3A_40 = tpu.memref_slice %arg9[%add3A_22, %dma_start3A_39] : memref<10240x128xf32, #tpu.memory_space<vmem_shared>> -> memref<128x128xf32, #tpu.memory_space<vmem_shared>>
      tpu.enqueue_dma source(%arg8 : memref<128x128xf32, #tpu.memory_space<vmem>>) target(%dma_start3A_40 : memref<128x128xf32, #tpu.memory_space<vmem_shared>>) target_semaphore(%run_scoped3A : memref<!tpu.dma_semaphore, #tpu.memory_space<semaphore_mem>>)
      %dma_wait3A = arith.constant 0 : i32
      %dma_wait3A_41 = tpu.memref_slice %arg9[%add3A_22, %dma_wait3A] : memref<10240x128xf32, #tpu.memory_space<vmem_shared>> -> memref<128x128xf32, #tpu.memory_space<vmem_shared>>
      %dma_wait3A_42 = arith.constant 0 : i32
      %dma_wait3A_43 = tpu.memref_slice %arg9[%add3A_22, %dma_wait3A_42] : memref<10240x128xf32, #tpu.memory_space<vmem_shared>> -> memref<128x128xf32, #tpu.memory_space<vmem_shared>>
      tpu.wait_dma2 semaphore(%run_scoped3A : memref<!tpu.dma_semaphore, #tpu.memory_space<semaphore_mem>>) src(%arg8 : memref<128x128xf32, #tpu.memory_space<vmem>>) dst(%dma_wait3A_43 : memref<128x128xf32, #tpu.memory_space<vmem_shared>>)
      tpu.yield
    }) : () -> ()
    %mul3A_23 = arith.constant 640 : i32
    %mul3A_24 = arith.muli %arg1, %mul3A_23 : i32
    %add3A_25 = arith.constant 512 : i32
    %add3A_26 = arith.addi %mul3A_24, %add3A_25 : i32
    "tpu.region"() ({
      %run_scoped3A = tpu.sem_alloc : memref<!tpu.dma_semaphore, #tpu.memory_space<semaphore_mem>>
      %dma_start3A = arith.constant 0 : i32
      %dma_start3A_38 = tpu.memref_slice %arg9[%add3A_26, %dma_start3A] : memref<10240x128xf32, #tpu.memory_space<vmem_shared>> -> memref<128x128xf32, #tpu.memory_space<vmem_shared>>
      %dma_start3A_39 = arith.constant 0 : i32
      %dma_start3A_40 = tpu.memref_slice %arg9[%add3A_26, %dma_start3A_39] : memref<10240x128xf32, #tpu.memory_space<vmem_shared>> -> memref<128x128xf32, #tpu.memory_space<vmem_shared>>
      tpu.enqueue_dma source(%arg8 : memref<128x128xf32, #tpu.memory_space<vmem>>) target(%dma_start3A_40 : memref<128x128xf32, #tpu.memory_space<vmem_shared>>) target_semaphore(%run_scoped3A : memref<!tpu.dma_semaphore, #tpu.memory_space<semaphore_mem>>)
      %dma_wait3A = arith.constant 0 : i32
      %dma_wait3A_41 = tpu.memref_slice %arg9[%add3A_26, %dma_wait3A] : memref<10240x128xf32, #tpu.memory_space<vmem_shared>> -> memref<128x128xf32, #tpu.memory_space<vmem_shared>>
      %dma_wait3A_42 = arith.constant 0 : i32
      %dma_wait3A_43 = tpu.memref_slice %arg9[%add3A_26, %dma_wait3A_42] : memref<10240x128xf32, #tpu.memory_space<vmem_shared>> -> memref<128x128xf32, #tpu.memory_space<vmem_shared>>
      tpu.wait_dma2 semaphore(%run_scoped3A : memref<!tpu.dma_semaphore, #tpu.memory_space<semaphore_mem>>) src(%arg8 : memref<128x128xf32, #tpu.memory_space<vmem>>) dst(%dma_wait3A_43 : memref<128x128xf32, #tpu.memory_space<vmem_shared>>)
      tpu.yield
    }) : () -> ()
    %barrier3A = arith.constant 0 : index
    tpu.barrier barrier_id(%barrier3A)
    %scan3A_27 = arith.constant 0 : i32
    %scan3A_28 = arith.constant 0 : i32
    %scan3A_29 = arith.constant 80 : i32
    %scan3A_30 = arith.addi %scan3A_28, %scan3A_29 : i32
    %scan3A_31 = arith.constant 1 : i32
    scf.for %scan3A_38 = %scan3A_28 to %scan3A_30 step %scan3A_31  : i32 {
      %dma_start3A = arith.constant 0 : i32
      %dma_start3A_39 = tpu.memref_slice %arg6[%scan3A_38, %dma_start3A] : memref<80x128xi32, #tpu.memory_space<vmem>> -> memref<1x128xi32, #tpu.memory_space<vmem>>
      %dma_start3A_40 = tpu.memref_squeeze %dma_start3A_39 : memref<1x128xi32, #tpu.memory_space<vmem>> -> memref<128xi32, #tpu.memory_space<vmem>>
      %dma_start3A_41 = arith.constant 0 : i32
      %dma_start3A_42 = arith.constant 0 : i32
      %dma_start3A_43 = tpu.memref_slice %arg2[%dma_start3A_41, %dma_start3A_42] : memref<50000x128xf32, #tpu.memory_space<hbm>> -> memref<50000x128xf32, #tpu.memory_space<hbm>>
      tpu.enqueue_indirect_dma source(%dma_start3A_43 : memref<50000x128xf32, #tpu.memory_space<hbm>>) target(%arg8 : memref<128x128xf32, #tpu.memory_space<vmem>>) offsets(%dma_start3A_40 : memref<128xi32, #tpu.memory_space<vmem>>) semaphore(%arg10 : memref<!tpu.dma_semaphore, #tpu.memory_space<semaphore_mem>>)
      %dma_wait3A = arith.constant 0 : i32
      %dma_wait3A_44 = tpu.memref_slice %arg6[%scan3A_38, %dma_wait3A] : memref<80x128xi32, #tpu.memory_space<vmem>> -> memref<1x128xi32, #tpu.memory_space<vmem>>
      %dma_wait3A_45 = tpu.memref_squeeze %dma_wait3A_44 : memref<1x128xi32, #tpu.memory_space<vmem>> -> memref<128xi32, #tpu.memory_space<vmem>>
      %dma_wait3A_46 = arith.constant 0 : i32
      %dma_wait3A_47 = arith.constant 0 : i32
      %dma_wait3A_48 = tpu.memref_slice %arg2[%dma_wait3A_46, %dma_wait3A_47] : memref<50000x128xf32, #tpu.memory_space<hbm>> -> memref<50000x128xf32, #tpu.memory_space<hbm>>
      tpu.wait_indirect_dma semaphore(%arg10 : memref<!tpu.dma_semaphore, #tpu.memory_space<semaphore_mem>>) src(%dma_wait3A_48 : memref<50000x128xf32, #tpu.memory_space<hbm>>) dst(%arg8 : memref<128x128xf32, #tpu.memory_space<vmem>>)
      "tpu.region"() ({
        %run_scoped3A = tpu.sem_alloc : memref<!tpu.dma_semaphore, #tpu.memory_space<semaphore_mem>>
        %dma_start3A_49 = arith.constant 0 : i32
        %dma_start3A_50 = tpu.memref_slice %arg7[%scan3A_38, %dma_start3A_49] : memref<80x128xi32, #tpu.memory_space<vmem>> -> memref<1x128xi32, #tpu.memory_space<vmem>>
        %dma_start3A_51 = tpu.memref_squeeze %dma_start3A_50 : memref<1x128xi32, #tpu.memory_space<vmem>> -> memref<128xi32, #tpu.memory_space<vmem>>
        %dma_start3A_52 = arith.constant 0 : i32
        %dma_start3A_53 = arith.constant 0 : i32
        %dma_start3A_54 = tpu.memref_slice %arg9[%dma_start3A_52, %dma_start3A_53] : memref<10240x128xf32, #tpu.memory_space<vmem_shared>> -> memref<10240x128xf32, #tpu.memory_space<vmem_shared>>
        tpu.enqueue_indirect_dma source(%arg8 : memref<128x128xf32, #tpu.memory_space<vmem>>) target(%dma_start3A_54 : memref<10240x128xf32, #tpu.memory_space<vmem_shared>>) offsets(%dma_start3A_51 : memref<128xi32, #tpu.memory_space<vmem>>) semaphore(%run_scoped3A : memref<!tpu.dma_semaphore, #tpu.memory_space<semaphore_mem>>) {add = true}
        %dma_wait3A_55 = arith.constant 0 : i32
        %dma_wait3A_56 = tpu.memref_slice %arg7[%scan3A_38, %dma_wait3A_55] : memref<80x128xi32, #tpu.memory_space<vmem>> -> memref<1x128xi32, #tpu.memory_space<vmem>>
        %dma_wait3A_57 = tpu.memref_squeeze %dma_wait3A_56 : memref<1x128xi32, #tpu.memory_space<vmem>> -> memref<128xi32, #tpu.memory_space<vmem>>
        %dma_wait3A_58 = arith.constant 0 : i32
        %dma_wait3A_59 = arith.constant 0 : i32
        %dma_wait3A_60 = tpu.memref_slice %arg9[%dma_wait3A_58, %dma_wait3A_59] : memref<10240x128xf32, #tpu.memory_space<vmem_shared>> -> memref<10240x128xf32, #tpu.memory_space<vmem_shared>>
        tpu.wait_indirect_dma semaphore(%run_scoped3A : memref<!tpu.dma_semaphore, #tpu.memory_space<semaphore_mem>>) src(%arg8 : memref<128x128xf32, #tpu.memory_space<vmem>>) dst(%dma_wait3A_60 : memref<10240x128xf32, #tpu.memory_space<vmem_shared>>)
        tpu.yield
      }) : () -> ()
    }
    %scan3A_32 = arith.constant 80 : i32
    %barrier3A_33 = arith.constant 0 : index
    tpu.barrier barrier_id(%barrier3A_33)
    %mul3A_34 = arith.constant 640 : i32
    %mul3A_35 = arith.muli %arg1, %mul3A_34 : i32
    %mul3A_36 = arith.constant 640 : i32
    %mul3A_37 = arith.muli %arg1, %mul3A_36 : i32
    "tpu.region"() ({
      %run_scoped3A = tpu.sem_alloc : memref<!tpu.dma_semaphore, #tpu.memory_space<semaphore_mem>>
      %dma_start3A = arith.constant 0 : i32
      %dma_start3A_38 = tpu.memref_slice %arg5[%arg0, %mul3A_37, %dma_start3A] : memref<2x10240x128xf32, #tpu.memory_space<hbm>> -> memref<1x640x128xf32, #tpu.memory_space<hbm>>
      %dma_start3A_39 = tpu.memref_squeeze %dma_start3A_38 : memref<1x640x128xf32, #tpu.memory_space<hbm>> -> memref<640x128xf32, #tpu.memory_space<hbm>>
      %dma_start3A_40 = arith.constant 0 : i32
      %dma_start3A_41 = tpu.memref_slice %arg9[%mul3A_35, %dma_start3A_40] : memref<10240x128xf32, #tpu.memory_space<vmem_shared>> -> memref<640x128xf32, #tpu.memory_space<vmem_shared>>
      tpu.enqueue_dma source(%dma_start3A_41 : memref<640x128xf32, #tpu.memory_space<vmem_shared>>) target(%dma_start3A_39 : memref<640x128xf32, #tpu.memory_space<hbm>>) target_semaphore(%run_scoped3A : memref<!tpu.dma_semaphore, #tpu.memory_space<semaphore_mem>>)
      %dma_wait3A = arith.constant 0 : i32
      %dma_wait3A_42 = tpu.memref_slice %arg5[%arg0, %mul3A_37, %dma_wait3A] : memref<2x10240x128xf32, #tpu.memory_space<hbm>> -> memref<1x640x128xf32, #tpu.memory_space<hbm>>
      %dma_wait3A_43 = tpu.memref_squeeze %dma_wait3A_42 : memref<1x640x128xf32, #tpu.memory_space<hbm>> -> memref<640x128xf32, #tpu.memory_space<hbm>>
      %dma_wait3A_44 = arith.constant 0 : i32
      %dma_wait3A_45 = tpu.memref_slice %arg9[%mul3A_35, %dma_wait3A_44] : memref<10240x128xf32, #tpu.memory_space<vmem_shared>> -> memref<640x128xf32, #tpu.memory_space<vmem_shared>>
      tpu.wait_dma2 semaphore(%run_scoped3A : memref<!tpu.dma_semaphore, #tpu.memory_space<semaphore_mem>>) src(%dma_wait3A_45 : memref<640x128xf32, #tpu.memory_space<vmem_shared>>) dst(%dma_wait3A_43 : memref<640x128xf32, #tpu.memory_space<hbm>>)
      tpu.yield
    }) : () -> ()
    return
  }
}

#map = affine_map<(d0, d1) -> (0, 0)>
#map1 = affine_map<(d0, d1) -> (0, 0, 0)>
module attributes {stable_mosaic.version = 14 : i64} {
  func.func @_sc_agg_body(%arg0: i32, %arg1: i32, %arg2: memref<50000x128xf32, #tpu.memory_space<hbm>>, %arg3: memref<32x80x128xi32, #tpu.memory_space<hbm>>, %arg4: memref<32x80x128xi32, #tpu.memory_space<hbm>>, %arg5: memref<2x10240x128xf32, #tpu.memory_space<hbm>>, %arg6: memref<80x128xi32, #tpu.memory_space<vmem>>, %arg7: memref<80x128xi32, #tpu.memory_space<vmem>>, %arg8: memref<128x128xf32, #tpu.memory_space<vmem>>, %arg9: memref<10240x128xf32, #tpu.memory_space<vmem_shared>>, %arg10: memref<!tpu.dma_semaphore, #tpu.memory_space<semaphore_mem>>) attributes {dimension_semantics = [#tpu.dimension_semantics<core_parallel>, #tpu.dimension_semantics<subcore_parallel>], iteration_bounds = array<i64: 2, 16>, scalar_prefetch = 0 : i64, scratch_operands = 5 : i64, tpu.core_type = #tpu.core_type<sc_vector_subcore>, window_params = [{transform_indices = #map}, {transform_indices = #map1}, {transform_indices = #map1}, {transform_indices = #map1}]} {
    %mul3A = arith.constant 2 : i32
    %mul3A_0 = arith.muli %arg1, %mul3A : i32
    %add3A = arith.addi %mul3A_0, %arg0 : i32
    "tpu.region"() ({
      %run_scoped3A = tpu.sem_alloc : memref<!tpu.dma_semaphore, #tpu.memory_space<semaphore_mem>>
      %dma_start3A = arith.constant 0 : i32
      %dma_start3A_38 = arith.constant 0 : i32
      %dma_start3A_39 = tpu.memref_slice %arg3[%add3A, %dma_start3A, %dma_start3A_38] : memref<32x80x128xi32, #tpu.memory_space<hbm>> -> memref<1x80x128xi32, #tpu.memory_space<hbm>>
      %dma_start3A_40 = tpu.memref_squeeze %dma_start3A_39 : memref<1x80x128xi32, #tpu.memory_space<hbm>> -> memref<80x128xi32, #tpu.memory_space<hbm>>
      %dma_start3A_41 = arith.constant 0 : i32
      %dma_start3A_42 = arith.constant 0 : i32
      %dma_start3A_43 = tpu.memref_slice %arg3[%add3A, %dma_start3A_41, %dma_start3A_42] : memref<32x80x128xi32, #tpu.memory_space<hbm>> -> memref<1x80x128xi32, #tpu.memory_space<hbm>>
      %dma_start3A_44 = tpu.memref_squeeze %dma_start3A_43 : memref<1x80x128xi32, #tpu.memory_space<hbm>> -> memref<80x128xi32, #tpu.memory_space<hbm>>
      tpu.enqueue_dma source(%dma_start3A_44 : memref<80x128xi32, #tpu.memory_space<hbm>>) target(%arg6 : memref<80x128xi32, #tpu.memory_space<vmem>>) target_semaphore(%run_scoped3A : memref<!tpu.dma_semaphore, #tpu.memory_space<semaphore_mem>>)
      %dma_wait3A = arith.constant 0 : i32
      %dma_wait3A_45 = arith.constant 0 : i32
      %dma_wait3A_46 = tpu.memref_slice %arg3[%add3A, %dma_wait3A, %dma_wait3A_45] : memref<32x80x128xi32, #tpu.memory_space<hbm>> -> memref<1x80x128xi32, #tpu.memory_space<hbm>>
      %dma_wait3A_47 = tpu.memref_squeeze %dma_wait3A_46 : memref<1x80x128xi32, #tpu.memory_space<hbm>> -> memref<80x128xi32, #tpu.memory_space<hbm>>
      %dma_wait3A_48 = arith.constant 0 : i32
      %dma_wait3A_49 = arith.constant 0 : i32
      %dma_wait3A_50 = tpu.memref_slice %arg3[%add3A, %dma_wait3A_48, %dma_wait3A_49] : memref<32x80x128xi32, #tpu.memory_space<hbm>> -> memref<1x80x128xi32, #tpu.memory_space<hbm>>
      %dma_wait3A_51 = tpu.memref_squeeze %dma_wait3A_50 : memref<1x80x128xi32, #tpu.memory_space<hbm>> -> memref<80x128xi32, #tpu.memory_space<hbm>>
      tpu.wait_dma2 semaphore(%run_scoped3A : memref<!tpu.dma_semaphore, #tpu.memory_space<semaphore_mem>>) src(%dma_wait3A_51 : memref<80x128xi32, #tpu.memory_space<hbm>>) dst(%arg6 : memref<80x128xi32, #tpu.memory_space<vmem>>)
      tpu.yield
    }) : () -> ()
    "tpu.region"() ({
      %run_scoped3A = tpu.sem_alloc : memref<!tpu.dma_semaphore, #tpu.memory_space<semaphore_mem>>
      %dma_start3A = arith.constant 0 : i32
      %dma_start3A_38 = arith.constant 0 : i32
      %dma_start3A_39 = tpu.memref_slice %arg4[%add3A, %dma_start3A, %dma_start3A_38] : memref<32x80x128xi32, #tpu.memory_space<hbm>> -> memref<1x80x128xi32, #tpu.memory_space<hbm>>
      %dma_start3A_40 = tpu.memref_squeeze %dma_start3A_39 : memref<1x80x128xi32, #tpu.memory_space<hbm>> -> memref<80x128xi32, #tpu.memory_space<hbm>>
      %dma_start3A_41 = arith.constant 0 : i32
      %dma_start3A_42 = arith.constant 0 : i32
      %dma_start3A_43 = tpu.memref_slice %arg4[%add3A, %dma_start3A_41, %dma_start3A_42] : memref<32x80x128xi32, #tpu.memory_space<hbm>> -> memref<1x80x128xi32, #tpu.memory_space<hbm>>
      %dma_start3A_44 = tpu.memref_squeeze %dma_start3A_43 : memref<1x80x128xi32, #tpu.memory_space<hbm>> -> memref<80x128xi32, #tpu.memory_space<hbm>>
      tpu.enqueue_dma source(%dma_start3A_44 : memref<80x128xi32, #tpu.memory_space<hbm>>) target(%arg7 : memref<80x128xi32, #tpu.memory_space<vmem>>) target_semaphore(%run_scoped3A : memref<!tpu.dma_semaphore, #tpu.memory_space<semaphore_mem>>)
      %dma_wait3A = arith.constant 0 : i32
      %dma_wait3A_45 = arith.constant 0 : i32
      %dma_wait3A_46 = tpu.memref_slice %arg4[%add3A, %dma_wait3A, %dma_wait3A_45] : memref<32x80x128xi32, #tpu.memory_space<hbm>> -> memref<1x80x128xi32, #tpu.memory_space<hbm>>
      %dma_wait3A_47 = tpu.memref_squeeze %dma_wait3A_46 : memref<1x80x128xi32, #tpu.memory_space<hbm>> -> memref<80x128xi32, #tpu.memory_space<hbm>>
      %dma_wait3A_48 = arith.constant 0 : i32
      %dma_wait3A_49 = arith.constant 0 : i32
      %dma_wait3A_50 = tpu.memref_slice %arg4[%add3A, %dma_wait3A_48, %dma_wait3A_49] : memref<32x80x128xi32, #tpu.memory_space<hbm>> -> memref<1x80x128xi32, #tpu.memory_space<hbm>>
      %dma_wait3A_51 = tpu.memref_squeeze %dma_wait3A_50 : memref<1x80x128xi32, #tpu.memory_space<hbm>> -> memref<80x128xi32, #tpu.memory_space<hbm>>
      tpu.wait_dma2 semaphore(%run_scoped3A : memref<!tpu.dma_semaphore, #tpu.memory_space<semaphore_mem>>) src(%dma_wait3A_51 : memref<80x128xi32, #tpu.memory_space<hbm>>) dst(%arg7 : memref<80x128xi32, #tpu.memory_space<vmem>>)
      tpu.yield
    }) : () -> ()
    %broadcast_in_dim3A = arith.constant 0.000000e+00 : f32
    %broadcast_in_dim3A_1 = vector.broadcast %broadcast_in_dim3A : f32 to vector<16xf32>
    %scan3A = arith.constant 0 : i32
    %scan3A_2 = arith.constant 0 : i32
    %scan3A_3 = arith.constant 128 : i32
    %scan3A_4 = arith.addi %scan3A_2, %scan3A_3 : i32
    %scan3A_5 = arith.constant 1 : i32
    scf.for %scan3A_38 = %scan3A_2 to %scan3A_4 step %scan3A_5  : i32 {
      %swap3A = arith.index_cast %scan3A_38 : i32 to index
      %swap3A_39 = arith.constant 0 : index
      %swap3A_40 = tpu.vector_load %arg8[%swap3A, %swap3A_39] {strides = array<i32>} : memref<128x128xf32, #tpu.memory_space<vmem>>, vector<1x16xf32>,
      %swap3A_41 = vector.shape_cast %swap3A_40 : vector<1x16xf32> to vector<16xf32>
      %swap3A_42 = vector.shape_cast %broadcast_in_dim3A_1 : vector<16xf32> to vector<1x16xf32>
      tpu.vector_store %arg8[%swap3A, %swap3A_39], %swap3A_42 {strides = array<i32>} : memref<128x128xf32, #tpu.memory_space<vmem>>, vector<1x16xf32>,
      %swap3A_43 = arith.index_cast %scan3A_38 : i32 to index
      %swap3A_44 = arith.constant 16 : index
      %swap3A_45 = tpu.vector_load %arg8[%swap3A_43, %swap3A_44] {strides = array<i32>} : memref<128x128xf32, #tpu.memory_space<vmem>>, vector<1x16xf32>,
      %swap3A_46 = vector.shape_cast %swap3A_45 : vector<1x16xf32> to vector<16xf32>
      %swap3A_47 = vector.shape_cast %broadcast_in_dim3A_1 : vector<16xf32> to vector<1x16xf32>
      tpu.vector_store %arg8[%swap3A_43, %swap3A_44], %swap3A_47 {strides = array<i32>} : memref<128x128xf32, #tpu.memory_space<vmem>>, vector<1x16xf32>,
      %swap3A_48 = arith.index_cast %scan3A_38 : i32 to index
      %swap3A_49 = arith.constant 32 : index
      %swap3A_50 = tpu.vector_load %arg8[%swap3A_48, %swap3A_49] {strides = array<i32>} : memref<128x128xf32, #tpu.memory_space<vmem>>, vector<1x16xf32>,
      %swap3A_51 = vector.shape_cast %swap3A_50 : vector<1x16xf32> to vector<16xf32>
      %swap3A_52 = vector.shape_cast %broadcast_in_dim3A_1 : vector<16xf32> to vector<1x16xf32>
      tpu.vector_store %arg8[%swap3A_48, %swap3A_49], %swap3A_52 {strides = array<i32>} : memref<128x128xf32, #tpu.memory_space<vmem>>, vector<1x16xf32>,
      %swap3A_53 = arith.index_cast %scan3A_38 : i32 to index
      %swap3A_54 = arith.constant 48 : index
      %swap3A_55 = tpu.vector_load %arg8[%swap3A_53, %swap3A_54] {strides = array<i32>} : memref<128x128xf32, #tpu.memory_space<vmem>>, vector<1x16xf32>,
      %swap3A_56 = vector.shape_cast %swap3A_55 : vector<1x16xf32> to vector<16xf32>
      %swap3A_57 = vector.shape_cast %broadcast_in_dim3A_1 : vector<16xf32> to vector<1x16xf32>
      tpu.vector_store %arg8[%swap3A_53, %swap3A_54], %swap3A_57 {strides = array<i32>} : memref<128x128xf32, #tpu.memory_space<vmem>>, vector<1x16xf32>,
      %swap3A_58 = arith.index_cast %scan3A_38 : i32 to index
      %swap3A_59 = arith.constant 64 : index
      %swap3A_60 = tpu.vector_load %arg8[%swap3A_58, %swap3A_59] {strides = array<i32>} : memref<128x128xf32, #tpu.memory_space<vmem>>, vector<1x16xf32>,
      %swap3A_61 = vector.shape_cast %swap3A_60 : vector<1x16xf32> to vector<16xf32>
      %swap3A_62 = vector.shape_cast %broadcast_in_dim3A_1 : vector<16xf32> to vector<1x16xf32>
      tpu.vector_store %arg8[%swap3A_58, %swap3A_59], %swap3A_62 {strides = array<i32>} : memref<128x128xf32, #tpu.memory_space<vmem>>, vector<1x16xf32>,
      %swap3A_63 = arith.index_cast %scan3A_38 : i32 to index
      %swap3A_64 = arith.constant 80 : index
      %swap3A_65 = tpu.vector_load %arg8[%swap3A_63, %swap3A_64] {strides = array<i32>} : memref<128x128xf32, #tpu.memory_space<vmem>>, vector<1x16xf32>,
      %swap3A_66 = vector.shape_cast %swap3A_65 : vector<1x16xf32> to vector<16xf32>
      %swap3A_67 = vector.shape_cast %broadcast_in_dim3A_1 : vector<16xf32> to vector<1x16xf32>
      tpu.vector_store %arg8[%swap3A_63, %swap3A_64], %swap3A_67 {strides = array<i32>} : memref<128x128xf32, #tpu.memory_space<vmem>>, vector<1x16xf32>,
      %swap3A_68 = arith.index_cast %scan3A_38 : i32 to index
      %swap3A_69 = arith.constant 96 : index
      %swap3A_70 = tpu.vector_load %arg8[%swap3A_68, %swap3A_69] {strides = array<i32>} : memref<128x128xf32, #tpu.memory_space<vmem>>, vector<1x16xf32>,
      %swap3A_71 = vector.shape_cast %swap3A_70 : vector<1x16xf32> to vector<16xf32>
      %swap3A_72 = vector.shape_cast %broadcast_in_dim3A_1 : vector<16xf32> to vector<1x16xf32>
      tpu.vector_store %arg8[%swap3A_68, %swap3A_69], %swap3A_72 {strides = array<i32>} : memref<128x128xf32, #tpu.memory_space<vmem>>, vector<1x16xf32>,
      %swap3A_73 = arith.index_cast %scan3A_38 : i32 to index
      %swap3A_74 = arith.constant 112 : index
      %swap3A_75 = tpu.vector_load %arg8[%swap3A_73, %swap3A_74] {strides = array<i32>} : memref<128x128xf32, #tpu.memory_space<vmem>>, vector<1x16xf32>,
      %swap3A_76 = vector.shape_cast %swap3A_75 : vector<1x16xf32> to vector<16xf32>
      %swap3A_77 = vector.shape_cast %broadcast_in_dim3A_1 : vector<16xf32> to vector<1x16xf32>
      tpu.vector_store %arg8[%swap3A_73, %swap3A_74], %swap3A_77 {strides = array<i32>} : memref<128x128xf32, #tpu.memory_space<vmem>>, vector<1x16xf32>,
    }
    %scan3A_6 = arith.constant 128 : i32
    %mul3A_7 = arith.constant 640 : i32
    %mul3A_8 = arith.muli %arg1, %mul3A_7 : i32
    %add3A_9 = arith.constant 0 : i32
    %add3A_10 = arith.addi %mul3A_8, %add3A_9 : i32
    "tpu.region"() ({
      %run_scoped3A = tpu.sem_alloc : memref<!tpu.dma_semaphore, #tpu.memory_space<semaphore_mem>>
      %dma_start3A = arith.constant 0 : i32
      %dma_start3A_38 = tpu.memref_slice %arg9[%add3A_10, %dma_start3A] : memref<10240x128xf32, #tpu.memory_space<vmem_shared>> -> memref<128x128xf32, #tpu.memory_space<vmem_shared>>
      %dma_start3A_39 = arith.constant 0 : i32
      %dma_start3A_40 = tpu.memref_slice %arg9[%add3A_10, %dma_start3A_39] : memref<10240x128xf32, #tpu.memory_space<vmem_shared>> -> memref<128x128xf32, #tpu.memory_space<vmem_shared>>
      tpu.enqueue_dma source(%arg8 : memref<128x128xf32, #tpu.memory_space<vmem>>) target(%dma_start3A_40 : memref<128x128xf32, #tpu.memory_space<vmem_shared>>) target_semaphore(%run_scoped3A : memref<!tpu.dma_semaphore, #tpu.memory_space<semaphore_mem>>)
      %dma_wait3A = arith.constant 0 : i32
      %dma_wait3A_41 = tpu.memref_slice %arg9[%add3A_10, %dma_wait3A] : memref<10240x128xf32, #tpu.memory_space<vmem_shared>> -> memref<128x128xf32, #tpu.memory_space<vmem_shared>>
      %dma_wait3A_42 = arith.constant 0 : i32
      %dma_wait3A_43 = tpu.memref_slice %arg9[%add3A_10, %dma_wait3A_42] : memref<10240x128xf32, #tpu.memory_space<vmem_shared>> -> memref<128x128xf32, #tpu.memory_space<vmem_shared>>
      tpu.wait_dma2 semaphore(%run_scoped3A : memref<!tpu.dma_semaphore, #tpu.memory_space<semaphore_mem>>) src(%arg8 : memref<128x128xf32, #tpu.memory_space<vmem>>) dst(%dma_wait3A_43 : memref<128x128xf32, #tpu.memory_space<vmem_shared>>)
      tpu.yield
    }) : () -> ()
    %mul3A_11 = arith.constant 640 : i32
    %mul3A_12 = arith.muli %arg1, %mul3A_11 : i32
    %add3A_13 = arith.constant 128 : i32
    %add3A_14 = arith.addi %mul3A_12, %add3A_13 : i32
    "tpu.region"() ({
      %run_scoped3A = tpu.sem_alloc : memref<!tpu.dma_semaphore, #tpu.memory_space<semaphore_mem>>
      %dma_start3A = arith.constant 0 : i32
      %dma_start3A_38 = tpu.memref_slice %arg9[%add3A_14, %dma_start3A] : memref<10240x128xf32, #tpu.memory_space<vmem_shared>> -> memref<128x128xf32, #tpu.memory_space<vmem_shared>>
      %dma_start3A_39 = arith.constant 0 : i32
      %dma_start3A_40 = tpu.memref_slice %arg9[%add3A_14, %dma_start3A_39] : memref<10240x128xf32, #tpu.memory_space<vmem_shared>> -> memref<128x128xf32, #tpu.memory_space<vmem_shared>>
      tpu.enqueue_dma source(%arg8 : memref<128x128xf32, #tpu.memory_space<vmem>>) target(%dma_start3A_40 : memref<128x128xf32, #tpu.memory_space<vmem_shared>>) target_semaphore(%run_scoped3A : memref<!tpu.dma_semaphore, #tpu.memory_space<semaphore_mem>>)
      %dma_wait3A = arith.constant 0 : i32
      %dma_wait3A_41 = tpu.memref_slice %arg9[%add3A_14, %dma_wait3A] : memref<10240x128xf32, #tpu.memory_space<vmem_shared>> -> memref<128x128xf32, #tpu.memory_space<vmem_shared>>
      %dma_wait3A_42 = arith.constant 0 : i32
      %dma_wait3A_43 = tpu.memref_slice %arg9[%add3A_14, %dma_wait3A_42] : memref<10240x128xf32, #tpu.memory_space<vmem_shared>> -> memref<128x128xf32, #tpu.memory_space<vmem_shared>>
      tpu.wait_dma2 semaphore(%run_scoped3A : memref<!tpu.dma_semaphore, #tpu.memory_space<semaphore_mem>>) src(%arg8 : memref<128x128xf32, #tpu.memory_space<vmem>>) dst(%dma_wait3A_43 : memref<128x128xf32, #tpu.memory_space<vmem_shared>>)
      tpu.yield
    }) : () -> ()
    %mul3A_15 = arith.constant 640 : i32
    %mul3A_16 = arith.muli %arg1, %mul3A_15 : i32
    %add3A_17 = arith.constant 256 : i32
    %add3A_18 = arith.addi %mul3A_16, %add3A_17 : i32
    "tpu.region"() ({
      %run_scoped3A = tpu.sem_alloc : memref<!tpu.dma_semaphore, #tpu.memory_space<semaphore_mem>>
      %dma_start3A = arith.constant 0 : i32
      %dma_start3A_38 = tpu.memref_slice %arg9[%add3A_18, %dma_start3A] : memref<10240x128xf32, #tpu.memory_space<vmem_shared>> -> memref<128x128xf32, #tpu.memory_space<vmem_shared>>
      %dma_start3A_39 = arith.constant 0 : i32
      %dma_start3A_40 = tpu.memref_slice %arg9[%add3A_18, %dma_start3A_39] : memref<10240x128xf32, #tpu.memory_space<vmem_shared>> -> memref<128x128xf32, #tpu.memory_space<vmem_shared>>
      tpu.enqueue_dma source(%arg8 : memref<128x128xf32, #tpu.memory_space<vmem>>) target(%dma_start3A_40 : memref<128x128xf32, #tpu.memory_space<vmem_shared>>) target_semaphore(%run_scoped3A : memref<!tpu.dma_semaphore, #tpu.memory_space<semaphore_mem>>)
      %dma_wait3A = arith.constant 0 : i32
      %dma_wait3A_41 = tpu.memref_slice %arg9[%add3A_18, %dma_wait3A] : memref<10240x128xf32, #tpu.memory_space<vmem_shared>> -> memref<128x128xf32, #tpu.memory_space<vmem_shared>>
      %dma_wait3A_42 = arith.constant 0 : i32
      %dma_wait3A_43 = tpu.memref_slice %arg9[%add3A_18, %dma_wait3A_42] : memref<10240x128xf32, #tpu.memory_space<vmem_shared>> -> memref<128x128xf32, #tpu.memory_space<vmem_shared>>
      tpu.wait_dma2 semaphore(%run_scoped3A : memref<!tpu.dma_semaphore, #tpu.memory_space<semaphore_mem>>) src(%arg8 : memref<128x128xf32, #tpu.memory_space<vmem>>) dst(%dma_wait3A_43 : memref<128x128xf32, #tpu.memory_space<vmem_shared>>)
      tpu.yield
    }) : () -> ()
    %mul3A_19 = arith.constant 640 : i32
    %mul3A_20 = arith.muli %arg1, %mul3A_19 : i32
    %add3A_21 = arith.constant 384 : i32
    %add3A_22 = arith.addi %mul3A_20, %add3A_21 : i32
    "tpu.region"() ({
      %run_scoped3A = tpu.sem_alloc : memref<!tpu.dma_semaphore, #tpu.memory_space<semaphore_mem>>
      %dma_start3A = arith.constant 0 : i32
      %dma_start3A_38 = tpu.memref_slice %arg9[%add3A_22, %dma_start3A] : memref<10240x128xf32, #tpu.memory_space<vmem_shared>> -> memref<128x128xf32, #tpu.memory_space<vmem_shared>>
      %dma_start3A_39 = arith.constant 0 : i32
      %dma_start3A_40 = tpu.memref_slice %arg9[%add3A_22, %dma_start3A_39] : memref<10240x128xf32, #tpu.memory_space<vmem_shared>> -> memref<128x128xf32, #tpu.memory_space<vmem_shared>>
      tpu.enqueue_dma source(%arg8 : memref<128x128xf32, #tpu.memory_space<vmem>>) target(%dma_start3A_40 : memref<128x128xf32, #tpu.memory_space<vmem_shared>>) target_semaphore(%run_scoped3A : memref<!tpu.dma_semaphore, #tpu.memory_space<semaphore_mem>>)
      %dma_wait3A = arith.constant 0 : i32
      %dma_wait3A_41 = tpu.memref_slice %arg9[%add3A_22, %dma_wait3A] : memref<10240x128xf32, #tpu.memory_space<vmem_shared>> -> memref<128x128xf32, #tpu.memory_space<vmem_shared>>
      %dma_wait3A_42 = arith.constant 0 : i32
      %dma_wait3A_43 = tpu.memref_slice %arg9[%add3A_22, %dma_wait3A_42] : memref<10240x128xf32, #tpu.memory_space<vmem_shared>> -> memref<128x128xf32, #tpu.memory_space<vmem_shared>>
      tpu.wait_dma2 semaphore(%run_scoped3A : memref<!tpu.dma_semaphore, #tpu.memory_space<semaphore_mem>>) src(%arg8 : memref<128x128xf32, #tpu.memory_space<vmem>>) dst(%dma_wait3A_43 : memref<128x128xf32, #tpu.memory_space<vmem_shared>>)
      tpu.yield
    }) : () -> ()
    %mul3A_23 = arith.constant 640 : i32
    %mul3A_24 = arith.muli %arg1, %mul3A_23 : i32
    %add3A_25 = arith.constant 512 : i32
    %add3A_26 = arith.addi %mul3A_24, %add3A_25 : i32
    "tpu.region"() ({
      %run_scoped3A = tpu.sem_alloc : memref<!tpu.dma_semaphore, #tpu.memory_space<semaphore_mem>>
      %dma_start3A = arith.constant 0 : i32
      %dma_start3A_38 = tpu.memref_slice %arg9[%add3A_26, %dma_start3A] : memref<10240x128xf32, #tpu.memory_space<vmem_shared>> -> memref<128x128xf32, #tpu.memory_space<vmem_shared>>
      %dma_start3A_39 = arith.constant 0 : i32
      %dma_start3A_40 = tpu.memref_slice %arg9[%add3A_26, %dma_start3A_39] : memref<10240x128xf32, #tpu.memory_space<vmem_shared>> -> memref<128x128xf32, #tpu.memory_space<vmem_shared>>
      tpu.enqueue_dma source(%arg8 : memref<128x128xf32, #tpu.memory_space<vmem>>) target(%dma_start3A_40 : memref<128x128xf32, #tpu.memory_space<vmem_shared>>) target_semaphore(%run_scoped3A : memref<!tpu.dma_semaphore, #tpu.memory_space<semaphore_mem>>)
      %dma_wait3A = arith.constant 0 : i32
      %dma_wait3A_41 = tpu.memref_slice %arg9[%add3A_26, %dma_wait3A] : memref<10240x128xf32, #tpu.memory_space<vmem_shared>> -> memref<128x128xf32, #tpu.memory_space<vmem_shared>>
      %dma_wait3A_42 = arith.constant 0 : i32
      %dma_wait3A_43 = tpu.memref_slice %arg9[%add3A_26, %dma_wait3A_42] : memref<10240x128xf32, #tpu.memory_space<vmem_shared>> -> memref<128x128xf32, #tpu.memory_space<vmem_shared>>
      tpu.wait_dma2 semaphore(%run_scoped3A : memref<!tpu.dma_semaphore, #tpu.memory_space<semaphore_mem>>) src(%arg8 : memref<128x128xf32, #tpu.memory_space<vmem>>) dst(%dma_wait3A_43 : memref<128x128xf32, #tpu.memory_space<vmem_shared>>)
      tpu.yield
    }) : () -> ()
    %barrier3A = arith.constant 0 : index
    tpu.barrier barrier_id(%barrier3A)
    %scan3A_27 = arith.constant 0 : i32
    %scan3A_28 = arith.constant 0 : i32
    %scan3A_29 = arith.constant 80 : i32
    %scan3A_30 = arith.addi %scan3A_28, %scan3A_29 : i32
    %scan3A_31 = arith.constant 1 : i32
    scf.for %scan3A_38 = %scan3A_28 to %scan3A_30 step %scan3A_31  : i32 {
      %dma_start3A = arith.constant 0 : i32
      %dma_start3A_39 = tpu.memref_slice %arg6[%scan3A_38, %dma_start3A] : memref<80x128xi32, #tpu.memory_space<vmem>> -> memref<1x128xi32, #tpu.memory_space<vmem>>
      %dma_start3A_40 = tpu.memref_squeeze %dma_start3A_39 : memref<1x128xi32, #tpu.memory_space<vmem>> -> memref<128xi32, #tpu.memory_space<vmem>>
      %dma_start3A_41 = arith.constant 0 : i32
      %dma_start3A_42 = arith.constant 0 : i32
      %dma_start3A_43 = tpu.memref_slice %arg2[%dma_start3A_41, %dma_start3A_42] : memref<50000x128xf32, #tpu.memory_space<hbm>> -> memref<50000x128xf32, #tpu.memory_space<hbm>>
      tpu.enqueue_indirect_dma source(%dma_start3A_43 : memref<50000x128xf32, #tpu.memory_space<hbm>>) target(%arg8 : memref<128x128xf32, #tpu.memory_space<vmem>>) offsets(%dma_start3A_40 : memref<128xi32, #tpu.memory_space<vmem>>) semaphore(%arg10 : memref<!tpu.dma_semaphore, #tpu.memory_space<semaphore_mem>>)
      %dma_wait3A = arith.constant 0 : i32
      %dma_wait3A_44 = tpu.memref_slice %arg6[%scan3A_38, %dma_wait3A] : memref<80x128xi32, #tpu.memory_space<vmem>> -> memref<1x128xi32, #tpu.memory_space<vmem>>
      %dma_wait3A_45 = tpu.memref_squeeze %dma_wait3A_44 : memref<1x128xi32, #tpu.memory_space<vmem>> -> memref<128xi32, #tpu.memory_space<vmem>>
      %dma_wait3A_46 = arith.constant 0 : i32
      %dma_wait3A_47 = arith.constant 0 : i32
      %dma_wait3A_48 = tpu.memref_slice %arg2[%dma_wait3A_46, %dma_wait3A_47] : memref<50000x128xf32, #tpu.memory_space<hbm>> -> memref<50000x128xf32, #tpu.memory_space<hbm>>
      tpu.wait_indirect_dma semaphore(%arg10 : memref<!tpu.dma_semaphore, #tpu.memory_space<semaphore_mem>>) src(%dma_wait3A_48 : memref<50000x128xf32, #tpu.memory_space<hbm>>) dst(%arg8 : memref<128x128xf32, #tpu.memory_space<vmem>>)
      "tpu.region"() ({
        %run_scoped3A = tpu.sem_alloc : memref<!tpu.dma_semaphore, #tpu.memory_space<semaphore_mem>>
        %dma_start3A_49 = arith.constant 0 : i32
        %dma_start3A_50 = tpu.memref_slice %arg7[%scan3A_38, %dma_start3A_49] : memref<80x128xi32, #tpu.memory_space<vmem>> -> memref<1x128xi32, #tpu.memory_space<vmem>>
        %dma_start3A_51 = tpu.memref_squeeze %dma_start3A_50 : memref<1x128xi32, #tpu.memory_space<vmem>> -> memref<128xi32, #tpu.memory_space<vmem>>
        %dma_start3A_52 = arith.constant 0 : i32
        %dma_start3A_53 = arith.constant 0 : i32
        %dma_start3A_54 = tpu.memref_slice %arg9[%dma_start3A_52, %dma_start3A_53] : memref<10240x128xf32, #tpu.memory_space<vmem_shared>> -> memref<10240x128xf32, #tpu.memory_space<vmem_shared>>
        tpu.enqueue_indirect_dma source(%arg8 : memref<128x128xf32, #tpu.memory_space<vmem>>) target(%dma_start3A_54 : memref<10240x128xf32, #tpu.memory_space<vmem_shared>>) offsets(%dma_start3A_51 : memref<128xi32, #tpu.memory_space<vmem>>) semaphore(%run_scoped3A : memref<!tpu.dma_semaphore, #tpu.memory_space<semaphore_mem>>) {add = true}
        %dma_wait3A_55 = arith.constant 0 : i32
        %dma_wait3A_56 = tpu.memref_slice %arg7[%scan3A_38, %dma_wait3A_55] : memref<80x128xi32, #tpu.memory_space<vmem>> -> memref<1x128xi32, #tpu.memory_space<vmem>>
        %dma_wait3A_57 = tpu.memref_squeeze %dma_wait3A_56 : memref<1x128xi32, #tpu.memory_space<vmem>> -> memref<128xi32, #tpu.memory_space<vmem>>
        %dma_wait3A_58 = arith.constant 0 : i32
        %dma_wait3A_59 = arith.constant 0 : i32
        %dma_wait3A_60 = tpu.memref_slice %arg9[%dma_wait3A_58, %dma_wait3A_59] : memref<10240x128xf32, #tpu.memory_space<vmem_shared>> -> memref<10240x128xf32, #tpu.memory_space<vmem_shared>>
        tpu.wait_indirect_dma semaphore(%run_scoped3A : memref<!tpu.dma_semaphore, #tpu.memory_space<semaphore_mem>>) src(%arg8 : memref<128x128xf32, #tpu.memory_space<vmem>>) dst(%dma_wait3A_60 : memref<10240x128xf32, #tpu.memory_space<vmem_shared>>)
        tpu.yield
      }) : () -> ()
    }
    %scan3A_32 = arith.constant 80 : i32
    %barrier3A_33 = arith.constant 0 : index
    tpu.barrier barrier_id(%barrier3A_33)
    %mul3A_34 = arith.constant 640 : i32
    %mul3A_35 = arith.muli %arg1, %mul3A_34 : i32
    %mul3A_36 = arith.constant 640 : i32
    %mul3A_37 = arith.muli %arg1, %mul3A_36 : i32
    "tpu.region"() ({
      %run_scoped3A = tpu.sem_alloc : memref<!tpu.dma_semaphore, #tpu.memory_space<semaphore_mem>>
      %dma_start3A = arith.constant 0 : i32
      %dma_start3A_38 = tpu.memref_slice %arg5[%arg0, %mul3A_37, %dma_start3A] : memref<2x10240x128xf32, #tpu.memory_space<hbm>> -> memref<1x640x128xf32, #tpu.memory_space<hbm>>
      %dma_start3A_39 = tpu.memref_squeeze %dma_start3A_38 : memref<1x640x128xf32, #tpu.memory_space<hbm>> -> memref<640x128xf32, #tpu.memory_space<hbm>>
      %dma_start3A_40 = arith.constant 0 : i32
      %dma_start3A_41 = tpu.memref_slice %arg9[%mul3A_35, %dma_start3A_40] : memref<10240x128xf32, #tpu.memory_space<vmem_shared>> -> memref<640x128xf32, #tpu.memory_space<vmem_shared>>
      tpu.enqueue_dma source(%dma_start3A_41 : memref<640x128xf32, #tpu.memory_space<vmem_shared>>) target(%dma_start3A_39 : memref<640x128xf32, #tpu.memory_space<hbm>>) target_semaphore(%run_scoped3A : memref<!tpu.dma_semaphore, #tpu.memory_space<semaphore_mem>>)
      %dma_wait3A = arith.constant 0 : i32
      %dma_wait3A_42 = tpu.memref_slice %arg5[%arg0, %mul3A_37, %dma_wait3A] : memref<2x10240x128xf32, #tpu.memory_space<hbm>> -> memref<1x640x128xf32, #tpu.memory_space<hbm>>
      %dma_wait3A_43 = tpu.memref_squeeze %dma_wait3A_42 : memref<1x640x128xf32, #tpu.memory_space<hbm>> -> memref<640x128xf32, #tpu.memory_space<hbm>>
      %dma_wait3A_44 = arith.constant 0 : i32
      %dma_wait3A_45 = tpu.memref_slice %arg9[%mul3A_35, %dma_wait3A_44] : memref<10240x128xf32, #tpu.memory_space<vmem_shared>> -> memref<640x128xf32, #tpu.memory_space<vmem_shared>>
      tpu.wait_dma2 semaphore(%run_scoped3A : memref<!tpu.dma_semaphore, #tpu.memory_space<semaphore_mem>>) src(%dma_wait3A_45 : memref<640x128xf32, #tpu.memory_space<vmem_shared>>) dst(%dma_wait3A_43 : memref<640x128xf32, #tpu.memory_space<hbm>>)
      tpu.yield
    }) : () -> ()
    return
  }
}

module attributes {stable_mosaic.version = 14 : i64} {
  func.func @_idx_body(%arg0: memref<2560x128xi32, #tpu.memory_space<vmem>>, %arg1: memref<2560x128xi32, #tpu.memory_space<vmem>>, %arg2: memref<2560x128xi32, #tpu.memory_space<vmem>>) attributes {dimension_semantics = [], scalar_prefetch = 0 : i64, scratch_operands = 0 : i64, tpu.core_type = #tpu.core_type<tc>} {
    %get3A = arith.constant 0 : index
    %get3A_0 = arith.constant 0 : index
    %get3A_1 = vector.load %arg1[%get3A, %get3A_0] : memref<2560x128xi32, #tpu.memory_space<vmem>>, vector<2560x128xi32>
    %mul3A = arith.constant 10000 : i32
    %mul3A_2 = vector.broadcast %mul3A : i32 to vector<2560x128xi32>
    %mul3A_3 = arith.muli %get3A_1, %mul3A_2 : vector<2560x128xi32>
    %get3A_4 = arith.constant 0 : index
    %get3A_5 = arith.constant 0 : index
    %get3A_6 = vector.load %arg0[%get3A_4, %get3A_5] : memref<2560x128xi32, #tpu.memory_space<vmem>>, vector<2560x128xi32>
    %add3A = arith.addi %mul3A_3, %get3A_6 : vector<2560x128xi32>
    %swap3A = arith.constant 0 : index
    %swap3A_7 = arith.constant 0 : index
    %swap3A_8 = vector.load %arg2[%swap3A, %swap3A_7] : memref<2560x128xi32, #tpu.memory_space<vmem>>, vector<2560x128xi32>
    tpu.vector_store %arg2[%swap3A, %swap3A_7], %add3A {strides = array<i32>} : memref<2560x128xi32, #tpu.memory_space<vmem>>, vector<2560x128xi32>,
    return
  }
}

module attributes {stable_mosaic.version = 14 : i64} {
  func.func @_mm_body(%arg0: i32, %arg1: i32, %arg2: memref<1000x128xf32, #tpu.memory_space<vmem>>, %arg3: memref<1x128x128xf32, #tpu.memory_space<vmem>>, %arg4: memref<1x1000x128xf32, #tpu.memory_space<vmem>>) attributes {dimension_semantics = [#tpu.dimension_semantics<arbitrary>, #tpu.dimension_semantics<arbitrary>], iteration_bounds = array<i64: 5, 10>, scalar_prefetch = 0 : i64, scratch_operands = 0 : i64, tpu.core_type = #tpu.core_type<tc>, window_params = [{transform_indices = @transform_0, window_bounds = array<i64: 1000, 128>}, {transform_indices = @transform_1, window_bounds = array<i64: 1, 128, 128>}, {transform_indices = @transform_2, window_bounds = array<i64: 1, 1000, 128>}]} {
    %get3A = arith.constant 0 : index
    %get3A_0 = arith.constant 0 : index
    %get3A_1 = vector.load %arg2[%get3A, %get3A_0] : memref<1000x128xf32, #tpu.memory_space<vmem>>, vector<1000x128xf32>
    %get3A_2 = arith.constant 0 : index
    %get3A_3 = arith.constant 0 : index
    %get3A_4 = arith.constant 0 : index
    %get3A_5 = vector.load %arg3[%get3A_2, %get3A_3, %get3A_4] : memref<1x128x128xf32, #tpu.memory_space<vmem>>, vector<1x128x128xf32>
    %get3A_6 = vector.shape_cast %get3A_5 : vector<1x128x128xf32> to vector<128x128xf32>
    %dot_general3A = arith.constant dense<0.000000e+00> : vector<1000x128xf32>
    %dot_general3A_7 = tpu.matmul %get3A_1, %get3A_6, %dot_general3A {dimension_numbers = #tpu.dot_dimension_numbers<[1], [1], [0], [0], [0, 0, 1, 0], [], []>, transpose_lhs_hint = false} : vector<1000x128xf32>, vector<128x128xf32>, vector<1000x128xf32> -> vector<1000x128xf32>
    %swap3A = arith.constant 0 : index
    %swap3A_8 = arith.constant 0 : index
    %swap3A_9 = arith.constant 0 : index
    %swap3A_10 = vector.load %arg4[%swap3A, %swap3A_8, %swap3A_9] : memref<1x1000x128xf32, #tpu.memory_space<vmem>>, vector<1x1000x128xf32>
    %swap3A_11 = vector.shape_cast %swap3A_10 : vector<1x1000x128xf32> to vector<1000x128xf32>
    %swap3A_12 = vector.shape_cast %dot_general3A_7 : vector<1000x128xf32> to vector<1x1000x128xf32>
    tpu.vector_store %arg4[%swap3A, %swap3A_8, %swap3A_9], %swap3A_12 {strides = array<i32>} : memref<1x1000x128xf32, #tpu.memory_space<vmem>>, vector<1x1000x128xf32>,
    return
  }
  func.func @transform_0(%arg0: i32, %arg1: i32) -> (i32, i32) {
    %c0_i32 = arith.constant 0 : i32
    %c0_i32_0 = arith.constant 0 : i32
    return %arg1, %c0_i32 : i32, i32
  }
  func.func @transform_1(%arg0: i32, %arg1: i32) -> (i32, i32, i32) {
    %c0_i32 = arith.constant 0 : i32
    %c0_i32_0 = arith.constant 0 : i32
    %c0_i32_1 = arith.constant 0 : i32
    return %arg0, %c0_i32, %c0_i32_0 : i32, i32, i32
  }
  func.func @transform_2(%arg0: i32, %arg1: i32) -> (i32, i32, i32) {
    %c0_i32 = arith.constant 0 : i32
    %c0_i32_0 = arith.constant 0 : i32
    return %arg0, %arg1, %c0_i32 : i32, i32, i32
  }
}

module attributes {stable_mosaic.version = 14 : i64} {
  func.func @_combine_mm_body(%arg0: i32, %arg1: i32, %arg2: memref<1x1000x128xf32, #tpu.memory_space<vmem>>, %arg3: memref<2x1000x128xf32, #tpu.memory_space<vmem>>, %arg4: memref<1x8x128xf32, #tpu.memory_space<vmem>>, %arg5: memref<1x128x128xf32, #tpu.memory_space<vmem>>, %arg6: memref<1x1000x128xf32, #tpu.memory_space<vmem>>, %arg7: memref<1000x128xf32, #tpu.memory_space<vmem>>) attributes {dimension_semantics = [#tpu.dimension_semantics<arbitrary>, #tpu.dimension_semantics<arbitrary>], iteration_bounds = array<i64: 10, 5>, scalar_prefetch = 0 : i64, scratch_operands = 1 : i64, tpu.core_type = #tpu.core_type<tc>, window_params = [{transform_indices = @transform_0, window_bounds = array<i64: 1, 1000, 128>}, {transform_indices = @transform_1, window_bounds = array<i64: 2, 1000, 128>}, {transform_indices = @transform_2, window_bounds = array<i64: 1, 8, 128>}, {transform_indices = @transform_3, window_bounds = array<i64: 1, 128, 128>}, {transform_indices = @transform_4, window_bounds = array<i64: 1, 1000, 128>}]} {
    %eq3A = arith.constant 0 : i32
    %eq3A_0 = arith.cmpi eq, %arg1, %eq3A : i32
    %convert_element_type3A = arith.extui %eq3A_0 : i1 to i32
    %cond3A = arith.constant 0 : i32
    %cond3A_1 = arith.cmpi ne, %convert_element_type3A, %cond3A : i32
    scf.if %cond3A_1 {
      %get3A_15 = arith.constant 0 : index
      %get3A_16 = arith.constant 0 : index
      %get3A_17 = arith.constant 0 : index
      %get3A_18 = vector.load %arg2[%get3A_15, %get3A_16, %get3A_17] : memref<1x1000x128xf32, #tpu.memory_space<vmem>>, vector<1x1000x128xf32>
      %get3A_19 = vector.shape_cast %get3A_18 : vector<1x1000x128xf32> to vector<1000x128xf32>
      %get3A_20 = arith.constant 0 : index
      %get3A_21 = arith.constant 0 : index
      %get3A_22 = arith.constant 0 : index
      %get3A_23 = vector.load %arg3[%get3A_20, %get3A_21, %get3A_22] : memref<2x1000x128xf32, #tpu.memory_space<vmem>>, vector<1x1000x128xf32>
      %get3A_24 = vector.shape_cast %get3A_23 : vector<1x1000x128xf32> to vector<1000x128xf32>
      %add3A = arith.addf %get3A_19, %get3A_24 : vector<1000x128xf32>
      %get3A_25 = arith.constant 1 : index
      %get3A_26 = arith.constant 0 : index
      %get3A_27 = arith.constant 0 : index
      %get3A_28 = vector.load %arg3[%get3A_25, %get3A_26, %get3A_27] : memref<2x1000x128xf32, #tpu.memory_space<vmem>>, vector<1x1000x128xf32>
      %get3A_29 = vector.shape_cast %get3A_28 : vector<1x1000x128xf32> to vector<1000x128xf32>
      %add3A_30 = arith.addf %add3A, %get3A_29 : vector<1000x128xf32>
      %get3A_31 = arith.constant 0 : index
      %get3A_32 = arith.constant 0 : index
      %get3A_33 = arith.constant 0 : index
      %get3A_34 = vector.load %arg4[%get3A_31, %get3A_32, %get3A_33] : memref<1x8x128xf32, #tpu.memory_space<vmem>>, vector<1x1x128xf32>
      %get3A_35 = vector.shape_cast %get3A_34 : vector<1x1x128xf32> to vector<128xf32>
      %broadcast_in_dim3A = vector.shape_cast %get3A_35 : vector<128xf32> to vector<1x128xf32>
      %add3A_36 = vector.broadcast %broadcast_in_dim3A : vector<1x128xf32> to vector<1000x128xf32>
      %add3A_37 = arith.addf %add3A_30, %add3A_36 : vector<1000x128xf32>
      %jit3A = arith.constant 0.000000e+00 : f32
      %jit3A_38 = arith.constant 1.000000e+00 : f32
      %max3A = vector.broadcast %jit3A : f32 to vector<1000x128xf32>
      %max3A_39 = arith.maximumf %max3A, %add3A_37 : vector<1000x128xf32>
      %min3A = vector.broadcast %jit3A_38 : f32 to vector<1000x128xf32>
      %min3A_40 = arith.minimumf %min3A, %max3A_39 : vector<1000x128xf32>
      %swap3A_41 = arith.constant 0 : index
      %swap3A_42 = arith.constant 0 : index
      %swap3A_43 = vector.load %arg7[%swap3A_41, %swap3A_42] : memref<1000x128xf32, #tpu.memory_space<vmem>>, vector<1000x128xf32>
      tpu.vector_store %arg7[%swap3A_41, %swap3A_42], %min3A_40 {strides = array<i32>} : memref<1000x128xf32, #tpu.memory_space<vmem>>, vector<1000x128xf32>,
    } else {
    }
    %get3A = arith.constant 0 : index
    %get3A_2 = arith.constant 0 : index
    %get3A_3 = vector.load %arg7[%get3A, %get3A_2] : memref<1000x128xf32, #tpu.memory_space<vmem>>, vector<1000x128xf32>
    %get3A_4 = arith.constant 0 : index
    %get3A_5 = arith.constant 0 : index
    %get3A_6 = arith.constant 0 : index
    %get3A_7 = vector.load %arg5[%get3A_4, %get3A_5, %get3A_6] : memref<1x128x128xf32, #tpu.memory_space<vmem>>, vector<1x128x128xf32>
    %get3A_8 = vector.shape_cast %get3A_7 : vector<1x128x128xf32> to vector<128x128xf32>
    %dot_general3A = arith.constant dense<0.000000e+00> : vector<1000x128xf32>
    %dot_general3A_9 = tpu.matmul %get3A_3, %get3A_8, %dot_general3A {dimension_numbers = #tpu.dot_dimension_numbers<[1], [1], [0], [0], [0, 0, 1, 0], [], []>, transpose_lhs_hint = false} : vector<1000x128xf32>, vector<128x128xf32>, vector<1000x128xf32> -> vector<1000x128xf32>
    %swap3A = arith.constant 0 : index
    %swap3A_10 = arith.constant 0 : index
    %swap3A_11 = arith.constant 0 : index
    %swap3A_12 = vector.load %arg6[%swap3A, %swap3A_10, %swap3A_11] : memref<1x1000x128xf32, #tpu.memory_space<vmem>>, vector<1x1000x128xf32>
    %swap3A_13 = vector.shape_cast %swap3A_12 : vector<1x1000x128xf32> to vector<1000x128xf32>
    %swap3A_14 = vector.shape_cast %dot_general3A_9 : vector<1000x128xf32> to vector<1x1000x128xf32>
    tpu.vector_store %arg6[%swap3A, %swap3A_10, %swap3A_11], %swap3A_14 {strides = array<i32>} : memref<1x1000x128xf32, #tpu.memory_space<vmem>>, vector<1x1000x128xf32>,
    return
  }
  func.func @transform_0(%arg0: i32, %arg1: i32) -> (i32, i32, i32) {
    %c4_i32 = arith.constant 4 : i32
    %c0_i32 = arith.constant 0 : i32
    %c0_i32_0 = arith.constant 0 : i32
    return %c4_i32, %arg0, %c0_i32 : i32, i32, i32
  }
  func.func @transform_1(%arg0: i32, %arg1: i32) -> (i32, i32, i32) {
    %c0_i32 = arith.constant 0 : i32
    %c0_i32_0 = arith.constant 0 : i32
    %c0_i32_1 = arith.constant 0 : i32
    return %c0_i32, %arg0, %c0_i32_0 : i32, i32, i32
  }
  func.func @transform_2(%arg0: i32, %arg1: i32) -> (i32, i32, i32) {
    %jit3A = arith.constant 5 : i32
    %div3A = arith.divsi %arg0, %jit3A : i32
    %sign3A = arith.constant 0 : i32
    %sign3A_0 = arith.cmpi sgt, %arg0, %sign3A : i32
    %sign3A_1 = arith.extui %sign3A_0 : i1 to i32
    %sign3A_2 = arith.constant 0 : i32
    %sign3A_3 = arith.cmpi slt, %arg0, %sign3A_2 : i32
    %sign3A_4 = arith.extui %sign3A_3 : i1 to i32
    %sign3A_5 = arith.subi %sign3A_1, %sign3A_4 : i32
    %sign3A_6 = arith.constant 0 : i32
    %sign3A_7 = arith.cmpi sgt, %jit3A, %sign3A_6 : i32
    %sign3A_8 = arith.extui %sign3A_7 : i1 to i32
    %sign3A_9 = arith.constant 0 : i32
    %sign3A_10 = arith.cmpi slt, %jit3A, %sign3A_9 : i32
    %sign3A_11 = arith.extui %sign3A_10 : i1 to i32
    %sign3A_12 = arith.subi %sign3A_8, %sign3A_11 : i32
    %ne3A = arith.cmpi ne, %sign3A_5, %sign3A_12 : i32
    %rem3A = arith.remsi %arg0, %jit3A : i32
    %ne3A_13 = arith.constant 0 : i32
    %ne3A_14 = arith.cmpi ne, %rem3A, %ne3A_13 : i32
    %and3A = arith.andi %ne3A, %ne3A_14 : i1
    %sub3A = arith.constant 1 : i32
    %sub3A_15 = arith.subi %div3A, %sub3A : i32
    %select_n3A = arith.select %and3A, %sub3A_15, %div3A : i32
    %c0_i32 = arith.constant 0 : i32
    %c0_i32_16 = arith.constant 0 : i32
    %c0_i32_17 = arith.constant 0 : i32
    return %select_n3A, %c0_i32, %c0_i32_16 : i32, i32, i32
  }
  func.func @transform_3(%arg0: i32, %arg1: i32) -> (i32, i32, i32) {
    %c0_i32 = arith.constant 0 : i32
    %c0_i32_0 = arith.constant 0 : i32
    %c0_i32_1 = arith.constant 0 : i32
    return %arg1, %c0_i32, %c0_i32_0 : i32, i32, i32
  }
  func.func @transform_4(%arg0: i32, %arg1: i32) -> (i32, i32, i32) {
    %c0_i32 = arith.constant 0 : i32
    %c0_i32_0 = arith.constant 0 : i32
    return %arg1, %arg0, %c0_i32 : i32, i32, i32
  }
}

module attributes {stable_mosaic.version = 14 : i64} {
  func.func @_final_body(%arg0: i32, %arg1: memref<1x1000x128xf32, #tpu.memory_space<vmem>>, %arg2: memref<2x1000x128xf32, #tpu.memory_space<vmem>>, %arg3: memref<1x8x128xf32, #tpu.memory_space<vmem>>, %arg4: memref<1000x128xf32, #tpu.memory_space<vmem>>) attributes {dimension_semantics = [#tpu.dimension_semantics<arbitrary>], iteration_bounds = array<i64: 10>, scalar_prefetch = 0 : i64, scratch_operands = 0 : i64, tpu.core_type = #tpu.core_type<tc>, window_params = [{transform_indices = @transform_0, window_bounds = array<i64: 1, 1000, 128>}, {transform_indices = @transform_1, window_bounds = array<i64: 2, 1000, 128>}, {transform_indices = @transform_2, window_bounds = array<i64: 1, 8, 128>}, {transform_indices = @transform_3, window_bounds = array<i64: 1000, 128>}]} {
    %get3A = arith.constant 0 : index
    %get3A_0 = arith.constant 0 : index
    %get3A_1 = arith.constant 0 : index
    %get3A_2 = vector.load %arg1[%get3A, %get3A_0, %get3A_1] : memref<1x1000x128xf32, #tpu.memory_space<vmem>>, vector<1x1000x128xf32>
    %get3A_3 = vector.shape_cast %get3A_2 : vector<1x1000x128xf32> to vector<1000x128xf32>
    %get3A_4 = arith.constant 0 : index
    %get3A_5 = arith.constant 0 : index
    %get3A_6 = arith.constant 0 : index
    %get3A_7 = vector.load %arg2[%get3A_4, %get3A_5, %get3A_6] : memref<2x1000x128xf32, #tpu.memory_space<vmem>>, vector<1x1000x128xf32>
    %get3A_8 = vector.shape_cast %get3A_7 : vector<1x1000x128xf32> to vector<1000x128xf32>
    %add3A = arith.addf %get3A_3, %get3A_8 : vector<1000x128xf32>
    %get3A_9 = arith.constant 1 : index
    %get3A_10 = arith.constant 0 : index
    %get3A_11 = arith.constant 0 : index
    %get3A_12 = vector.load %arg2[%get3A_9, %get3A_10, %get3A_11] : memref<2x1000x128xf32, #tpu.memory_space<vmem>>, vector<1x1000x128xf32>
    %get3A_13 = vector.shape_cast %get3A_12 : vector<1x1000x128xf32> to vector<1000x128xf32>
    %add3A_14 = arith.addf %add3A, %get3A_13 : vector<1000x128xf32>
    %get3A_15 = arith.constant 0 : index
    %get3A_16 = arith.constant 0 : index
    %get3A_17 = arith.constant 0 : index
    %get3A_18 = vector.load %arg3[%get3A_15, %get3A_16, %get3A_17] : memref<1x8x128xf32, #tpu.memory_space<vmem>>, vector<1x1x128xf32>
    %get3A_19 = vector.shape_cast %get3A_18 : vector<1x1x128xf32> to vector<128xf32>
    %broadcast_in_dim3A = vector.shape_cast %get3A_19 : vector<128xf32> to vector<1x128xf32>
    %add3A_20 = vector.broadcast %broadcast_in_dim3A : vector<1x128xf32> to vector<1000x128xf32>
    %add3A_21 = arith.addf %add3A_14, %add3A_20 : vector<1000x128xf32>
    %jit3A = arith.constant 0.000000e+00 : f32
    %jit3A_22 = arith.constant 1.000000e+00 : f32
    %max3A = vector.broadcast %jit3A : f32 to vector<1000x128xf32>
    %max3A_23 = arith.maximumf %max3A, %add3A_21 : vector<1000x128xf32>
    %min3A = vector.broadcast %jit3A_22 : f32 to vector<1000x128xf32>
    %min3A_24 = arith.minimumf %min3A, %max3A_23 : vector<1000x128xf32>
    %swap3A = arith.constant 0 : index
    %swap3A_25 = arith.constant 0 : index
    %swap3A_26 = vector.load %arg4[%swap3A, %swap3A_25] : memref<1000x128xf32, #tpu.memory_space<vmem>>, vector<1000x128xf32>
    tpu.vector_store %arg4[%swap3A, %swap3A_25], %min3A_24 {strides = array<i32>} : memref<1000x128xf32, #tpu.memory_space<vmem>>, vector<1000x128xf32>,
    return
  }
  func.func @transform_0(%arg0: i32) -> (i32, i32, i32) {
    %c4_i32 = arith.constant 4 : i32
    %c0_i32 = arith.constant 0 : i32
    %c0_i32_0 = arith.constant 0 : i32
    return %c4_i32, %arg0, %c0_i32 : i32, i32, i32
  }
  func.func @transform_1(%arg0: i32) -> (i32, i32, i32) {
    %c0_i32 = arith.constant 0 : i32
    %c0_i32_0 = arith.constant 0 : i32
    %c0_i32_1 = arith.constant 0 : i32
    return %c0_i32, %arg0, %c0_i32_0 : i32, i32, i32
  }
  func.func @transform_2(%arg0: i32) -> (i32, i32, i32) {
    %jit3A = arith.constant 5 : i32
    %div3A = arith.divsi %arg0, %jit3A : i32
    %sign3A = arith.constant 0 : i32
    %sign3A_0 = arith.cmpi sgt, %arg0, %sign3A : i32
    %sign3A_1 = arith.extui %sign3A_0 : i1 to i32
    %sign3A_2 = arith.constant 0 : i32
    %sign3A_3 = arith.cmpi slt, %arg0, %sign3A_2 : i32
    %sign3A_4 = arith.extui %sign3A_3 : i1 to i32
    %sign3A_5 = arith.subi %sign3A_1, %sign3A_4 : i32
    %sign3A_6 = arith.constant 0 : i32
    %sign3A_7 = arith.cmpi sgt, %jit3A, %sign3A_6 : i32
    %sign3A_8 = arith.extui %sign3A_7 : i1 to i32
    %sign3A_9 = arith.constant 0 : i32
    %sign3A_10 = arith.cmpi slt, %jit3A, %sign3A_9 : i32
    %sign3A_11 = arith.extui %sign3A_10 : i1 to i32
    %sign3A_12 = arith.subi %sign3A_8, %sign3A_11 : i32
    %ne3A = arith.cmpi ne, %sign3A_5, %sign3A_12 : i32
    %rem3A = arith.remsi %arg0, %jit3A : i32
    %ne3A_13 = arith.constant 0 : i32
    %ne3A_14 = arith.cmpi ne, %rem3A, %ne3A_13 : i32
    %and3A = arith.andi %ne3A, %ne3A_14 : i1
    %sub3A = arith.constant 1 : i32
    %sub3A_15 = arith.subi %div3A, %sub3A : i32
    %select_n3A = arith.select %and3A, %sub3A_15, %div3A : i32
    %c0_i32 = arith.constant 0 : i32
    %c0_i32_16 = arith.constant 0 : i32
    %c0_i32_17 = arith.constant 0 : i32
    return %select_n3A, %c0_i32, %c0_i32_16 : i32, i32, i32
  }
  func.func @transform_3(%arg0: i32) -> (i32, i32) {
    %c0_i32 = arith.constant 0 : i32
    %c0_i32_0 = arith.constant 0 : i32
    return %arg0, %c0_i32 : i32, i32
  }
}

</mosaic_0001>

<sc_bundles>
// kernel: kernel.11.cloned.1.call-start
scs
__scs_entry_jumppad:
0x0: {  	(pc) =	sbr.rel $0x88, $3  }
0x1: {  	(tag) =	ssettag $0x0;
	lr =	simm.s32 $0x1  }
0x2: {  	[smem:$0x3F96] =	sst lr;
	_ =	strace $0xD0000000  }
0x3: {  	_ = 	snop  }
0x4: {  	_ = 	snop  }
0x5: {  	_ = 	snop  }
0x6: {  	_ = 	snop  }
0x7: {  	_ = 	snop  }
__scs_overlays_trampoline_lowered:
0x8: {  	[smem:$0x3FA5] =	sst s0  }
0x9: {  	[smem:$0x3FA6] =	sst s1  }
0xa: {  	[smem:$0x3FA7] =	sst s2  }
0xb: {  	[smem:$0x3FA8] =	sst s3  }
0xc: {  	[smem:$0x3FA9] =	sst s4  }
0xd: {  	[smem:$0x3FAA] =	sst s5  }
0xe: {  	[smem:$0x3FAB] =	sst s6  }
0xf: {  	[smem:$0x3FAC] =	sst s7  }
0x10: {  	[smem:$0x3FAD] =	sst s8  }
0x11: {  	[smem:$0x3FAE] =	sst s9;
	s0 =	simm.s32 @!p0 $0x0  }
0x12: {  	s1 =	sld [smem:$0x3F94];
	s0 =	simm.s32 @p0 $0x1  }
0x13: {  	[smem:$0x3FAF] =	sst s0;
	s0 =	simm.s32 @!p1 $0x0  }
0x14: {  	s2 =	sld [smem:$0x3F93];
	s0 =	simm.s32 @p1 $0x1  }
0x15: {  	[smem:$0x3FB0] =	sst s0;
	s0 =	simm.s32 @!p2 $0x0  }
0x16: {  	s3 =	sld [smem:$0x3FDB];
	s0 =	simm.s32 @p2 $0x1  }
0x17: {  	s4 =	simm.s32 $0x1BF5;
	[smem:$0x3FB2] =	sst s0  }
0x18: {  	s0 =	sld [smem:$0x3F95];
	_ =	swait.ge [sflag:s4], $0x0  }
0x19: {  	s7 =	sld [smem:$0x3F96]  }
0x1a: {  	s8 =	sadd.s32 $0xFFFFE003, lr  }
0x1b: {  	s9 =	sadd.s32 $0xFFFFFEF7, lr;
	s5 =	simm.s32 $0xFFFFFFFF;
	p2 =	slt.u32 s8, $0xFFFFF086  }
0x1c: {  	p1 =	slt.u32 s9, $0xF7A;
	s5 =	simm.s32 @!p2 $0x0  }
0x1d: {  	s5 =	simm.s32 @p1 $0x1;
	p0 =	seq.s32 s7, s2  }
0x1e: {  	s7 =	smul.u32 @!p0 $0xF7A, s2;
	p2 =	seq.s32 @!p0 s5, $0x0  }
0x1f: {  	s9 =	smul.u32 $0xF7A, s1;
	s8 =	simm.s32 @!p0 $0x1BF5;
	p2 =	por !p2, p0  }
0x20: {  	[sflag:s8] =	ssyncset.s32 @!p0 $0xFFFFF086;
	s6 =	sadd.s32 @!p0 s3, s7;
	s7 =	simm.s32 @!p0 $0x108  }
0x21: {  	s3 =	sadd.s32 s3, s9;
	s6 =	sadd.s32 @!p0 $0x88, s6;
	s7 =	simm.s32 @p2 $0x1082  }
0x22: {  	[simem:s7], [sflag:s8] =	dma.local @!p0 [hbm:s6], $0xF7A  }
0x23: {  	s9 =	sor.u32 $0xD0000000, s2;
	s6 =	simm.s32 $0x108;
	_ =	swait.ge @!p0 [sflag:s8], $0x0  }
0x24: {  	s3 =	sadd.s32 $0x88, s3;
	s6 =	simm.s32 @!p1 $0x1082;
	[sflag:s4] =	ssyncset.s32 $0xFFFFF086  }
0x25: {  	[simem:s6], [sflag:s4] =	dma.local [hbm:s3], $0xF7A  }
0x26: {  	[smem:$0x3F96] =	sst s1;
	(tag) =	ssettag s2;
	_ =	strace s9  }
0x27: {  	s1 =	sld [smem:$0x3FA6]  }
0x28: {  	s2 =	sld [smem:$0x3FA7]  }
0x29: {  	s4 =	sld [smem:$0x3FA9]  }
0x2a: {  	p0 =	seq.s32 s5, $0x0;
	s5 =	sld [smem:$0x3FAA]  }
0x2b: {  	s6 =	sld [smem:$0x3FAB]  }
0x2c: {  	s7 =	sld [smem:$0x3FAC]  }
0x2d: {  	s3 =	simm.s32 $0x108;
	s8 =	sld [smem:$0x3FAD]  }
0x2e: {  	s3 =	simm.s32 @!p0 $0x1082;
	s9 =	sld [smem:$0x3FAE]  }
0x2f: {  	lr =	sadd.s32 s0, s3;
	s0 =	sld [smem:$0x3FA5]  }
0x30: {  	s3 =	sld [smem:$0x3FA8]  }
0x31: {  	[smem:$0x3FB1] =	sst s10  }
0x32: {  	s10 =	sld [smem:$0x3FAF];
	_ =	sdelay $0x3  }
0x33: {  	p0 =	seq.s32 s10, $0x1;
	s10 =	sld [smem:$0x3FB1];
	_ =	sdelay $0x3  }
0x34: {  	[smem:$0x3FB1] =	sst s10  }
0x35: {  	s10 =	sld [smem:$0x3FB0];
	_ =	sdelay $0x3  }
0x36: {  	p1 =	seq.s32 s10, $0x1;
	s10 =	sld [smem:$0x3FB1];
	_ =	sdelay $0x3  }
0x37: {  	[smem:$0x3FB1] =	sst s10  }
0x38: {  	s10 =	sld [smem:$0x3FB2]  }
0x39: {  	_ = 	snop;
	(pc) =	sbr.ind lr, $3  }
0x3a: {  	_ = 	snop  }
0x3b: {  	_ = 	snop  }
0x3c: {  	p2 =	seq.s32 s10, $0x1;
	s10 =	sld [smem:$0x3FB1]  }
0x3d: {  	_ =	shalt  }
0x3e: {  	_ =	shalt  }
0x3f: {  	_ =	shalt  }
0x40: {  	_ =	shalt  }
0x41: {  	_ =	shalt  }
0x42: {  	_ =	shalt  }
0x43: {  	_ =	shalt  }
0x44: {  	_ =	shalt  }
0x45: {  	_ =	shalt  }
0x46: {  	_ =	shalt  }
0x47: {  	_ =	shalt  }
0x48: {  	_ =	shalt  }
0x49: {  	_ =	shalt  }
0x4a: {  	_ =	shalt  }
0x4b: {  	_ =	shalt  }
0x4c: {  	_ =	shalt  }
0x4d: {  	_ =	shalt  }
0x4e: {  	_ =	shalt  }
0x4f: {  	_ =	shalt  }
0x50: {  	_ =	shalt  }
0x51: {  	_ =	shalt  }
0x52: {  	_ =	shalt  }
0x53: {  	_ =	shalt  }
0x54: {  	_ =	shalt  }
0x55: {  	_ =	shalt  }
0x56: {  	_ =	shalt  }
0x57: {  	_ =	shalt  }
0x58: {  	_ =	shalt  }
0x59: {  	_ =	shalt  }
0x5a: {  	_ =	shalt  }
0x5b: {  	_ =	shalt  }
0x5c: {  	_ =	shalt  }
0x5d: {  	_ =	shalt  }
0x5e: {  	_ =	shalt  }
0x5f: {  	_ =	shalt  }
0x60: {  	_ =	shalt  }
0x61: {  	_ =	shalt  }
0x62: {  	_ =	shalt  }
0x63: {  	_ =	shalt  }
0x64: {  	_ =	shalt  }
0x65: {  	_ =	shalt  }
0x66: {  	_ =	shalt  }
0x67: {  	_ =	shalt  }
0x68: {  	_ =	shalt  }
0x69: {  	_ =	shalt  }
0x6a: {  	_ =	shalt  }
0x6b: {  	_ =	shalt  }
0x6c: {  	_ =	shalt  }
0x6d: {  	_ =	shalt  }
0x6e: {  	_ =	shalt  }
0x6f: {  	_ =	shalt  }
0x70: {  	_ =	shalt  }
0x71: {  	_ =	shalt  }
0x72: {  	_ =	shalt  }
0x73: {  	_ =	shalt  }
0x74: {  	_ =	shalt  }
0x75: {  	_ =	shalt  }
0x76: {  	_ =	shalt  }
0x77: {  	_ =	shalt  }
0x78: {  	_ =	shalt  }
0x79: {  	_ =	shalt  }
0x7a: {  	_ =	shalt  }
0x7b: {  	_ =	shalt  }
0x7c: {  	_ =	shalt  }
0x7d: {  	_ =	shalt  }
0x7e: {  	_ =	shalt  }
0x7f: {  	_ =	shalt  }
0x80: {  	_ =	shalt  }
0x81: {  	_ =	shalt  }
0x82: {  	_ =	shalt  }
0x83: {  	_ =	shalt  }
0x84: {  	_ =	shalt  }
0x85: {  	_ =	shalt  }
0x86: {  	_ =	shalt  }
0x87: {  	_ =	shalt  }
.Lfunc_end0:
.L_simem_size_0:
called_computation.1_lowered:
.L_overlay_start_0:
0x88: {  	s2 =	sld [smem:$0x3FD9]  }
0x89: {  	s3 =	sld [smem:$0x3FFE];
	_ =	sdelay $0x1  }
0x8a: {  	s1 =	srdreg.scid  }
0x8b: {  	s0 =	sand.u32 $0x1, s1  }
0x8c: {  	s17 =	sshll.u32 s0, $0xA;
	s2 =	sadd.s32 s3, s2  }
0x8d: {  	s2 =	sadd.s32 s2, s17  }
0x8e: {  	[smem:$0x3FBD] =	sst s2  }
0x8f: {  	_ = 	snop  }
0x90: {  	s2 =	sld [smem:$0x3FD0];
	(tm) =	ssettm $0x1  }
0x91: {  	s18 =	sld [smem:$0x3FFB];
	_ =	sdelay $0x3  }
0x92: {  	_ =	strace s18  }
0x93: {  	s3 =	sld [smem:$0x3FFC];
	_ =	sdelay $0x3  }
0x94: {  	_ =	strace s3  }
0x95: {  	s3 =	sld [smem:$0x3FFD];
	_ =	sdelay $0x3  }
0x96: {  	_ =	strace s3  }
0x97: {  	_ =	strace $0x8FFFFFFF  }
0x98: {  	s19 =	sld [smem:$0x3FDB];
	_ =	sdelay $0x1  }
0x99: {  	s4 =	simm.s32 $_scs_section_size  }
0x9a: {  	s5 =	simm.s32 $_size__tile_overlayer_lowered;
	s6 =	simm.s32 $_tile_overlayer_lowered  }
0x9b: {  	s22 =	simm.s32 $0x1BFF;
	s21 =	sshll.u32 s6, $0x1;
	s3 =	sadd.s32 s4, s19  }
0x9c: {  	s7 =	simm.s32 $0x0;
	s20 =	sshll.u32 s5, $0x1;
	s5 =	sadd.s32 s21, s3  }
0x9d: {  	[timem:s7], [sflag:s22] =	dma.local [hbm:s5], s20  }
0x9e: {  	_ =	swait.ge [sflag:s22], s20  }
0x9f: {  	s4 =	ssub.s32 $0x0, s20;
	[sflag:s22] =	ssyncset.done $0x0  }
0xa0: {  	[sflag:s22] =	ssyncadd.s32 s4;
	_ =	sdelay $0x1  }
0xa1: {  	s23 =	simm.s32 $0x1B8B  }
0xa2: {  	_ =	swait.ge [sflag:s23], $0x1  }
0xa3: {  	[sflag:s23] =	ssyncset.done $0x0  }
0xa4: {  	s25 =	simm.s32 $0x1B8E;
	s24 =	sld [smem:$0x3FFE];
	[sflag:s23] =	ssyncadd.s32 $0xFFFFFFFF  }
0xa5: {  	s26 =	simm.s32 $execute0_lowered;
	[smem:$0x3FD2] =	sst s25  }
0xa6: {  	s5 =	sshll.u32 s26, $0x1;
	_ =	strace $0x80000049;
	[dreg:$0x1] =	wrdreg $0xFFFFFFFF  }
0xa7: {  	s28 =	simm.s32 $_size_execute0_lowered;
	s3 =	sadd.s32 s3, s5;
	[dreg:$0x0] =	wrdreg $0x0  }
0xa8: {  	s5 =	sshll.u32 s28, $0x1;
	[dreg:$0x2] =	wrdreg s3  }
0xa9: {  	[dreg:$0x3] =	wrdreg s5  }
0xaa: {  	[dreg:$0x4] =	wrdreg $0xC0  }
0xab: {  	_ =	task [dreg:s7], $0x5FFFF  }
0xac: {  	[dreg:$0x1] =	wrdreg $0xFFFFFFFF  }
0xad: {  	[dreg:$0x0] =	wrdreg $0x60  }
0xae: {  	[dreg:$0x2] =	wrdreg s24  }
0xaf: {  	[dreg:$0x3] =	wrdreg s2  }
0xb0: {  	[dreg:$0x4] =	wrdreg $0x90000  }
0xb1: {  	[dreg:$0x5] =	wrdreg $0x9  }
0xb2: {  	_ =	task.clear_ibuf [dreg:s7], $0x6FFFF;
	_ =	strace $0x90000049  }
0xb3: {  	s29 =	simm.s32 $0x9;
	_ =	strace $0x8000004B  }
0xb4: {  	_ =	swait.ge [sflag:s29], $0x1  }
0xb5: {  	[sflag:s29] =	ssyncadd.s32 $0xFFFFFFFF  }
0xb6: {  	_ =	strace $0x9000004B  }
0xb7: {  	_ =	sfence  }
0xb8: {  	s30 =	sld [smem:$0x0];
	_ =	sdelay $0x2  }
0xb9: {  	s31 =	sshll.u32 s1, $0xD;
	s1 =	sshrl.u32 s1, $0x2  }
0xba: {  	s3 =	sand.u32 $0x4000, s31;
	s1 =	sadd.s32 s1, s30  }
0xbb: {  	s0 =	sor.u32 s3, s0;
	s1 =	sshll.u32 s1, $0x11  }
0xbc: {  	s0 =	sor.u32 s1, s0  }
0xbd: {  	s0 =	sadd.s32 $0x8F2B, s0  }
0xbe: {  	[sflag:s0] =	ssyncadd.remote.s32 $0x1  }
0xbf: {  	_ =	sfence.sel $0xFFFF  }
0xc0: {  	[dreg:$0x0] =	wrdreg $0xFFFFFFFF;
	(pc) =	sbr.abs _section_cstart, $3  }
0xc1: {  	[dreg:$0x1] =	wrdreg $0xFFFFFFFF  }
0xc2: {  	_ =	task.clear_ibuf [dreg:s7], $0x2FFFF;
	_ =	strace $0x9FFFFFFF  }
0xc3: {  	(tm) =	ssettm $0x7FFFFFFF  }
tec
execute0_lowered:
.L_overlay_start_1:
0x0: {  	(tag) =	ssettag $0x1  }
0x1: {  	s5 =	rddreg [dreg:$0x0]  }
0x2: {  	s6 =	rddreg [dreg:$0x1]  }
0x3: {  	s2 =	rddreg [dreg:$0x2];
	s3 =	srdreg.scid  }
0x4: {  	s0 =	rddreg [dreg:$0x3];
	s1 =	stileid.u32;
	s15 =	simm.s32 $0x2800  }
0x5: {  	s16 =	simm.s32 $0x5000;
	s17 =	simm.s32 $0x80;
	s18 =	simm.s32 $0x1  }
0x6: {  	s21 =	simm.s32 $0x0;
	s7 =	sand.u32 $0x1, s3;
	s10 =	smul.u32 $0x14000, s1  }
0x7: {  	s3 =	simm.s32 $0x0;
	s4 =	sshll.u32 s1, $0x1;
	s30 =	smul.u32 $0x50000, s1  }
0x8: {  	s19 =	sshll.u32 s1, $0x6;
	s8 =	smul.u32 $0x140000, s7;
	[smem:$0x7FF] =	sst s3  }
0x9: {  	s9 =	sor.u32 s7, s4;
	s4 =	sadd.s32 $0xCF600, s5;
	s7 =	ssub.s32 $0x2, s7  }
0xa: {  	s19 =	sor.u32 $0x1C02, s19;
	_ =	strace $0x8000004A;
	s9 =	smul.u32 $0x500, s9  }
0xb: {  	s12 =	sshrl.u32 s7, $0x1;
	s31 =	sshrl.u32 s30, $0x2;
	s8 =	sadd.s32 s10, s8  }
0xc: {  	s14 =	ssub.s32 s7, s12;
	s7 =	sadd.s32 s31, s2;
	s11 =	sadd.s32 s9, s5  }
0xd: {  	s8 =	sshrl.u32 s8, $0x3;
	s10 =	sadd.s32 $0xC000, s7;
	s20 =	sshrl.u32 s7, $0x3  }
0xe: {  	s13 =	sadd.s32 s8, s5;
	s5 =	sadd.s32 s6, s9;
	s6 =	sadd.s32 $0x2000, s11  }
0xf: {  	s8 =	sadd.s32 $0x4000, s7;
	s9 =	sadd.s32 $0x8000, s7;
	s11 =	sadd.s32 $0x10000, s7  }
0x10: {  	v0 =	vimm.f32 $0.0e+00;
	s12 =	sadd.s32 $0xC000, s13;
	s13 =	smax.u32 s14, $0x1;
	s14 =	simm.s32 $0x2  }
.LBB2_1:
0x11: {  	[tilespmem:s3], [sflag:$0x2] =	stream.linear.gather [hbm4b:s5+s3], $0x2800, $0x38;
	[tilespmem:$0x1D000] =	vst v63  }
0x12: {  	_ =	swait.ge [sflag:s14], $0x2800  }
0x13: {  	[sflag:s14] =	ssyncset.done $0x0  }
0x14: {  	[sflag:s14] =	ssyncadd.s32 $0xFFFFD800  }
0x15: {  	[tilespmem:s15], [sflag:$0x2] =	stream.linear.gather [hbm4b:s6+s3], $0x2800, $0x38;
	[tilespmem:$0x1D000] =	vst v63  }
0x16: {  	_ =	swait.ge [sflag:s14], $0x2800  }
0x17: {  	[sflag:s14] =	ssyncset.done $0x0  }
0x18: {  	s22 =	simm.s32 $0x0;
	s23 =	simm.s32 $0x200;
	[sflag:s14] =	ssyncadd.s32 $0xFFFFD800  }
.LBB2_2:
0x19: {  	p0 =	sne.s32 s23, $0xFE00;
	[tilespmem:s22+$0x5070] =	vst v0  }
0x1a: {  	[tilespmem:s22+$0x5000] =	vst v0  }
0x1b: {  	[tilespmem:s22+$0x5010] =	vst v0  }
.Ltmp0:
0x1c: {  	[tilespmem:s22+$0x5020] =	vst v0;
	(pc) =	sbr.rel @p0 .LBB2_2-.Ltmp0, $4  }
0x1d: {  	[tilespmem:s22+$0x5030] =	vst v0  }
0x1e: {  	[tilespmem:s22+$0x5040] =	vst v0  }
0x1f: {  	[tilespmem:s22+$0x5050] =	vst v0  }
0x20: {  	[tilespmem:s22+$0x5060] =	vst v0;
	s22 =	sshra.s32 s23, $0x2;
	s23 =	sadd.s32 $0x200, s23  }
0x21: {  	[tilespmem:s22+$0x5070] =	vst v0  }
0x22: {  	[tilespmem:s22+$0x5000] =	vst v0  }
0x23: {  	[tilespmem:s22+$0x5010] =	vst v0  }
0x24: {  	[tilespmem:s22+$0x5020] =	vst v0  }
0x25: {  	[tilespmem:s22+$0x5030] =	vst v0  }
0x26: {  	[tilespmem:s22+$0x5040] =	vst v0  }
0x27: {  	[tilespmem:s22+$0x5050] =	vst v0  }
0x28: {  	[tilespmem:s22+$0x5060] =	vst v0  }
0x29: {  	[spmem:s7] =	stream.linear.scatter [tilespmem:s16], [sflag:$0x2], $0x4000, $0x38;
	[tilespmem:$0x1D000] =	vst v63  }
0x2a: {  	_ =	swait.ge [sflag:s14], $0x4000  }
0x2b: {  	[sflag:s14] =	ssyncset.done $0x0  }
0x2c: {  	[sflag:s14] =	ssyncadd.s32 $0xFFFFC000  }
0x2d: {  	[spmem:s8] =	stream.linear.scatter [tilespmem:s16], [sflag:$0x2], $0x4000, $0x38;
	[tilespmem:$0x1D000] =	vst v63  }
0x2e: {  	_ =	swait.ge [sflag:s14], $0x4000  }
0x2f: {  	[sflag:s14] =	ssyncset.done $0x0  }
0x30: {  	[sflag:s14] =	ssyncadd.s32 $0xFFFFC000  }
0x31: {  	[spmem:s9] =	stream.linear.scatter [tilespmem:s16], [sflag:$0x2], $0x4000, $0x38;
	[tilespmem:$0x1D000] =	vst v63  }
0x32: {  	_ =	swait.ge [sflag:s14], $0x4000  }
0x33: {  	[sflag:s14] =	ssyncset.done $0x0  }
0x34: {  	[sflag:s14] =	ssyncadd.s32 $0xFFFFC000  }
0x35: {  	[spmem:s10] =	stream.linear.scatter [tilespmem:s16], [sflag:$0x2], $0x4000, $0x38;
	[tilespmem:$0x1D000] =	vst v63  }
0x36: {  	_ =	swait.ge [sflag:s14], $0x4000  }
0x37: {  	[sflag:s14] =	ssyncset.done $0x0  }
0x38: {  	[sflag:s14] =	ssyncadd.s32 $0xFFFFC000  }
0x39: {  	[spmem:s11] =	stream.linear.scatter [tilespmem:s16], [sflag:$0x2], $0x4000, $0x38;
	[tilespmem:$0x1D000] =	vst v63  }
0x3a: {  	_ =	swait.ge [sflag:s14], $0x4000  }
0x3b: {  	[sflag:s14] =	ssyncset.done $0x0  }
0x3c: {  	[sflag:s14] =	ssyncadd.s32 $0xFFFFC000  }
0x3d: {  	s30 =	simm.s32 $0x0;
	[bflag:$0x0] =	sbarrier.arrive $0xFFFF  }
0x3e: {  	[tilespmem:s16], [sflag:$0x1] =	stream.indirect.gather [hbm4b:s4+s17], $0x80, s30, s17, $0xb8;
	[tilespmem:$0x1D000] =	vst v63  }
0x3f: {  	_ =	swait.ge [sflag:s18], $0x4000  }
0x40: {  	[sflag:s18] =	ssyncset.done $0x0  }
0x41: {  	s31 =	simm.s32 $0x2800;
	[sflag:s18] =	ssyncadd.s32 $0xFFFFC000  }
0x42: {  	[spmem:s2] =	stream.indirect.scatter.add.f32 [tilespmem:s16], [sflag:$0x2], $0x80, s31, s17, $0xb8;
	[tilespmem:$0x1D000] =	vst v63  }
0x43: {  	_ =	swait.ge [sflag:s14], $0x4000  }
0x44: {  	s22 =	simm.s32 $0x200;
	s23 =	simm.s32 $0x400;
	[sflag:s14] =	ssyncset.done $0x0  }
.LBB2_4:
0x45: {  	s24 =	sshra.s32 s22, $0x2  }
0x46: {  	[sflag:s14] =	ssyncadd.s32 $0xFFFFC000;
	s22 =	smov.u32 s23;
	s25 =	sadd.s32 $0x200, s23  }
0x47: {  	[tilespmem:s16], [sflag:$0x1] =	stream.indirect.gather [hbm4b:s4+s17], $0x80, s24, s17, $0xb8;
	[tilespmem:$0x1D000] =	vst v63  }
0x48: {  	p0 =	sne.s32 s23, $0x9E00;
	_ =	swait.ge [sflag:s18], $0x4000  }
.Ltmp1:
0x49: {  	[sflag:s18] =	ssyncset.done $0x0;
	(pc) =	sbr.rel @p0 .LBB2_4-.Ltmp1, $4  }
0x4a: {  	s23 =	sadd.s32 $0x2800, s24;
	[sflag:s18] =	ssyncadd.s32 $0xFFFFC000  }
0x4b: {  	[spmem:s2] =	stream.indirect.scatter.add.f32 [tilespmem:s16], [sflag:$0x2], $0x80, s23, s17, $0xb8;
	[tilespmem:$0x1D000] =	vst v63  }
0x4c: {  	_ =	swait.ge [sflag:s14], $0x4000  }
0x4d: {  	s23 =	smov.u32 s25;
	[sflag:s14] =	ssyncset.done $0x0  }
0x4e: {  	s22 =	sshra.s32 s22, $0x2;
	[sflag:s14] =	ssyncadd.s32 $0xFFFFC000  }
0x4f: {  	[tilespmem:s16], [sflag:$0x1] =	stream.indirect.gather [hbm4b:s4+s17], $0x80, s22, s17, $0xb8;
	[tilespmem:$0x1D000] =	vst v63  }
0x50: {  	_ =	swait.ge [sflag:s18], $0x4000  }
0x51: {  	[sflag:s18] =	ssyncset.done $0x0  }
0x52: {  	s22 =	sadd.s32 $0x2800, s22;
	[sflag:s18] =	ssyncadd.s32 $0xFFFFC000  }
0x53: {  	[spmem:s2] =	stream.indirect.scatter.add.f32 [tilespmem:s16], [sflag:$0x2], $0x80, s22, s17, $0xb8;
	[tilespmem:$0x1D000] =	vst v63  }
0x54: {  	_ =	swait.ge [sflag:s14], $0x4000  }
0x55: {  	s21 =	sadd.s32 $0x1, s21;
	[sflag:s14] =	ssyncset.done $0x0  }
0x56: {  	p0 =	sne.s32 s21, s13;
	[sflag:s14] =	ssyncadd.s32 $0xFFFFC000  }
.Ltmp2:
0x57: {  	[bflag:$0x0] =	sbarrier.arrive $0xFFFF;
	(pc) =	sbr.rel @p0 .LBB2_1-.Ltmp2, $4  }
0x58: {  	[hbm:s12], [sflag:s19] =	dma.local [spmem:s20], $0x2800  }
0x59: {  	_ =	swait.ge [sflag:s14], $0x2800  }
0x5a: {  	[sflag:s14] =	ssyncset.done $0x0  }
0x5b: {  	[sflag:s14] =	ssyncadd.s32 $0xFFFFD800  }
0x5c: {  	_ =	sfence.sel $0x180000  }
0x5d: {  	[bflag:$0x0] =	sbarrier.arrive $0xFFFF  }
0x5e: {  	p0 =	sne.s32 s1, $0x0;
	_ =	strace $0x9000004A  }
0x5f: {  	s0 =	sadd.s32 @!p0 $0x100000, s0;
	[bflag:$0x2] =	sbarrier.arrive $0xFFFF  }
0x60: {  	[sflag:s0] =	ssyncadd.tile.s32 @!p0 $0x1;
	_ =	shalt  }
.Lfunc_end2:
_tile_overlayer_lowered:
.L_overlay_start_2:
0x61: {  	(tag) =	ssettag $0x2  }
0x62: {  	s0 =	rddreg [dreg:$0x0];
	s2 =	stileid.u32  }
0x63: {  	s1 =	rddreg [dreg:$0x1];
	p0 =	sne.s32 s2, $0x0  }
0x64: {  	s3 =	rddreg [dreg:$0x2];
	[bflag:$0x3] =	sbarrier.arrive $0xFFFF;
	s2 =	simm.s32 @!p0 $0x1C02  }
0x65: {  	[timem:s3], [sflag:s2] =	dma.local @!p0 [hbm:s0], s1  }
0x66: {  	s0 =	simm.s32 @!p0 $0x2  }
0x67: {  	_ =	swait.ge @!p0 [sflag:s0], s1  }
0x68: {  	s1 =	ssub.s32 @!p0 $0x0, s1;
	[sflag:s0] =	ssyncset.done @!p0 $0x0  }
0x69: {  	[sflag:s0] =	ssyncadd.s32 @!p0 s1  }
0x6a: {  	[bflag:$0x3] =	sbarrier.arrive $0xFFFF  }
0x6b: {  	_ =	shalt  }

// kernel: kernel.8.cloned.1.call-start
scs
__scs_entry_jumppad:
0x0: {  	(pc) =	sbr.rel $0x88, $3  }
0x1: {  	(tag) =	ssettag $0x0;
	lr =	simm.s32 $0x1  }
0x2: {  	[smem:$0x3F96] =	sst lr;
	_ =	strace $0xD0000000  }
0x3: {  	_ = 	snop  }
0x4: {  	_ = 	snop  }
0x5: {  	_ = 	snop  }
0x6: {  	_ = 	snop  }
0x7: {  	_ = 	snop  }
__scs_overlays_trampoline_lowered:
0x8: {  	[smem:$0x3FA5] =	sst s0  }
0x9: {  	[smem:$0x3FA6] =	sst s1  }
0xa: {  	[smem:$0x3FA7] =	sst s2  }
0xb: {  	[smem:$0x3FA8] =	sst s3  }
0xc: {  	[smem:$0x3FA9] =	sst s4  }
0xd: {  	[smem:$0x3FAA] =	sst s5  }
0xe: {  	[smem:$0x3FAB] =	sst s6  }
0xf: {  	[smem:$0x3FAC] =	sst s7  }
0x10: {  	[smem:$0x3FAD] =	sst s8  }
0x11: {  	[smem:$0x3FAE] =	sst s9;
	s0 =	simm.s32 @!p0 $0x0  }
0x12: {  	s1 =	sld [smem:$0x3F94];
	s0 =	simm.s32 @p0 $0x1  }
0x13: {  	[smem:$0x3FAF] =	sst s0;
	s0 =	simm.s32 @!p1 $0x0  }
0x14: {  	s2 =	sld [smem:$0x3F93];
	s0 =	simm.s32 @p1 $0x1  }
0x15: {  	[smem:$0x3FB0] =	sst s0;
	s0 =	simm.s32 @!p2 $0x0  }
0x16: {  	s3 =	sld [smem:$0x3FDB];
	s0 =	simm.s32 @p2 $0x1  }
0x17: {  	s4 =	simm.s32 $0x1BF5;
	[smem:$0x3FB2] =	sst s0  }
0x18: {  	s0 =	sld [smem:$0x3F95];
	_ =	swait.ge [sflag:s4], $0x0  }
0x19: {  	s7 =	sld [smem:$0x3F96]  }
0x1a: {  	s8 =	sadd.s32 $0xFFFFE003, lr  }
0x1b: {  	s9 =	sadd.s32 $0xFFFFFEF7, lr;
	s5 =	simm.s32 $0xFFFFFFFF;
	p2 =	slt.u32 s8, $0xFFFFF086  }
0x1c: {  	p1 =	slt.u32 s9, $0xF7A;
	s5 =	simm.s32 @!p2 $0x0  }
0x1d: {  	s5 =	simm.s32 @p1 $0x1;
	p0 =	seq.s32 s7, s2  }
0x1e: {  	s7 =	smul.u32 @!p0 $0xF7A, s2;
	p2 =	seq.s32 @!p0 s5, $0x0  }
0x1f: {  	s9 =	smul.u32 $0xF7A, s1;
	s8 =	simm.s32 @!p0 $0x1BF5;
	p2 =	por !p2, p0  }
0x20: {  	[sflag:s8] =	ssyncset.s32 @!p0 $0xFFFFF086;
	s6 =	sadd.s32 @!p0 s3, s7;
	s7 =	simm.s32 @!p0 $0x108  }
0x21: {  	s3 =	sadd.s32 s3, s9;
	s6 =	sadd.s32 @!p0 $0x88, s6;
	s7 =	simm.s32 @p2 $0x1082  }
0x22: {  	[simem:s7], [sflag:s8] =	dma.local @!p0 [hbm:s6], $0xF7A  }
0x23: {  	s9 =	sor.u32 $0xD0000000, s2;
	s6 =	simm.s32 $0x108;
	_ =	swait.ge @!p0 [sflag:s8], $0x0  }
0x24: {  	s3 =	sadd.s32 $0x88, s3;
	s6 =	simm.s32 @!p1 $0x1082;
	[sflag:s4] =	ssyncset.s32 $0xFFFFF086  }
0x25: {  	[simem:s6], [sflag:s4] =	dma.local [hbm:s3], $0xF7A  }
0x26: {  	[smem:$0x3F96] =	sst s1;
	(tag) =	ssettag s2;
	_ =	strace s9  }
0x27: {  	s1 =	sld [smem:$0x3FA6]  }
0x28: {  	s2 =	sld [smem:$0x3FA7]  }
0x29: {  	s4 =	sld [smem:$0x3FA9]  }
0x2a: {  	p0 =	seq.s32 s5, $0x0;
	s5 =	sld [smem:$0x3FAA]  }
0x2b: {  	s6 =	sld [smem:$0x3FAB]  }
0x2c: {  	s7 =	sld [smem:$0x3FAC]  }
0x2d: {  	s3 =	simm.s32 $0x108;
	s8 =	sld [smem:$0x3FAD]  }
0x2e: {  	s3 =	simm.s32 @!p0 $0x1082;
	s9 =	sld [smem:$0x3FAE]  }
0x2f: {  	lr =	sadd.s32 s0, s3;
	s0 =	sld [smem:$0x3FA5]  }
0x30: {  	s3 =	sld [smem:$0x3FA8]  }
0x31: {  	[smem:$0x3FB1] =	sst s10  }
0x32: {  	s10 =	sld [smem:$0x3FAF];
	_ =	sdelay $0x3  }
0x33: {  	p0 =	seq.s32 s10, $0x1;
	s10 =	sld [smem:$0x3FB1];
	_ =	sdelay $0x3  }
0x34: {  	[smem:$0x3FB1] =	sst s10  }
0x35: {  	s10 =	sld [smem:$0x3FB0];
	_ =	sdelay $0x3  }
0x36: {  	p1 =	seq.s32 s10, $0x1;
	s10 =	sld [smem:$0x3FB1];
	_ =	sdelay $0x3  }
0x37: {  	[smem:$0x3FB1] =	sst s10  }
0x38: {  	s10 =	sld [smem:$0x3FB2]  }
0x39: {  	_ = 	snop;
	(pc) =	sbr.ind lr, $3  }
0x3a: {  	_ = 	snop  }
0x3b: {  	_ = 	snop  }
0x3c: {  	p2 =	seq.s32 s10, $0x1;
	s10 =	sld [smem:$0x3FB1]  }
0x3d: {  	_ =	shalt  }
0x3e: {  	_ =	shalt  }
0x3f: {  	_ =	shalt  }
0x40: {  	_ =	shalt  }
0x41: {  	_ =	shalt  }
0x42: {  	_ =	shalt  }
0x43: {  	_ =	shalt  }
0x44: {  	_ =	shalt  }
0x45: {  	_ =	shalt  }
0x46: {  	_ =	shalt  }
0x47: {  	_ =	shalt  }
0x48: {  	_ =	shalt  }
0x49: {  	_ =	shalt  }
0x4a: {  	_ =	shalt  }
0x4b: {  	_ =	shalt  }
0x4c: {  	_ =	shalt  }
0x4d: {  	_ =	shalt  }
0x4e: {  	_ =	shalt  }
0x4f: {  	_ =	shalt  }
0x50: {  	_ =	shalt  }
0x51: {  	_ =	shalt  }
0x52: {  	_ =	shalt  }
0x53: {  	_ =	shalt  }
0x54: {  	_ =	shalt  }
0x55: {  	_ =	shalt  }
0x56: {  	_ =	shalt  }
0x57: {  	_ =	shalt  }
0x58: {  	_ =	shalt  }
0x59: {  	_ =	shalt  }
0x5a: {  	_ =	shalt  }
0x5b: {  	_ =	shalt  }
0x5c: {  	_ =	shalt  }
0x5d: {  	_ =	shalt  }
0x5e: {  	_ =	shalt  }
0x5f: {  	_ =	shalt  }
0x60: {  	_ =	shalt  }
0x61: {  	_ =	shalt  }
0x62: {  	_ =	shalt  }
0x63: {  	_ =	shalt  }
0x64: {  	_ =	shalt  }
0x65: {  	_ =	shalt  }
0x66: {  	_ =	shalt  }
0x67: {  	_ =	shalt  }
0x68: {  	_ =	shalt  }
0x69: {  	_ =	shalt  }
0x6a: {  	_ =	shalt  }
0x6b: {  	_ =	shalt  }
0x6c: {  	_ =	shalt  }
0x6d: {  	_ =	shalt  }
0x6e: {  	_ =	shalt  }
0x6f: {  	_ =	shalt  }
0x70: {  	_ =	shalt  }
0x71: {  	_ =	shalt  }
0x72: {  	_ =	shalt  }
0x73: {  	_ =	shalt  }
0x74: {  	_ =	shalt  }
0x75: {  	_ =	shalt  }
0x76: {  	_ =	shalt  }
0x77: {  	_ =	shalt  }
0x78: {  	_ =	shalt  }
0x79: {  	_ =	shalt  }
0x7a: {  	_ =	shalt  }
0x7b: {  	_ =	shalt  }
0x7c: {  	_ =	shalt  }
0x7d: {  	_ =	shalt  }
0x7e: {  	_ =	shalt  }
0x7f: {  	_ =	shalt  }
0x80: {  	_ =	shalt  }
0x81: {  	_ =	shalt  }
0x82: {  	_ =	shalt  }
0x83: {  	_ =	shalt  }
0x84: {  	_ =	shalt  }
0x85: {  	_ =	shalt  }
0x86: {  	_ =	shalt  }
0x87: {  	_ =	shalt  }
.Lfunc_end0:
.L_simem_size_0:
called_computation_lowered:
.L_overlay_start_0:
0x88: {  	s2 =	sld [smem:$0x3FD9]  }
0x89: {  	s3 =	sld [smem:$0x3FFE];
	_ =	sdelay $0x1  }
0x8a: {  	s1 =	srdreg.scid  }
0x8b: {  	s0 =	sand.u32 $0x1, s1  }
0x8c: {  	s17 =	sshll.u32 s0, $0xA;
	s2 =	sadd.s32 s3, s2  }
0x8d: {  	s2 =	sadd.s32 s2, s17  }
0x8e: {  	[smem:$0x3FBD] =	sst s2  }
0x8f: {  	_ = 	snop  }
0x90: {  	s2 =	sld [smem:$0x3FD0];
	(tm) =	ssettm $0x1  }
0x91: {  	s18 =	sld [smem:$0x3FFB];
	_ =	sdelay $0x3  }
0x92: {  	_ =	strace s18  }
0x93: {  	s3 =	sld [smem:$0x3FFC];
	_ =	sdelay $0x3  }
0x94: {  	_ =	strace s3  }
0x95: {  	s3 =	sld [smem:$0x3FFD];
	_ =	sdelay $0x3  }
0x96: {  	_ =	strace s3  }
0x97: {  	_ =	strace $0x8FFFFFFF  }
0x98: {  	s19 =	sld [smem:$0x3FDB];
	_ =	sdelay $0x1  }
0x99: {  	s4 =	simm.s32 $_scs_section_size  }
0x9a: {  	s5 =	simm.s32 $_size__tile_overlayer_lowered;
	s6 =	simm.s32 $_tile_overlayer_lowered  }
0x9b: {  	s22 =	simm.s32 $0x1BFF;
	s21 =	sshll.u32 s6, $0x1;
	s3 =	sadd.s32 s4, s19  }
0x9c: {  	s7 =	simm.s32 $0x0;
	s20 =	sshll.u32 s5, $0x1;
	s5 =	sadd.s32 s21, s3  }
0x9d: {  	[timem:s7], [sflag:s22] =	dma.local [hbm:s5], s20  }
0x9e: {  	_ =	swait.ge [sflag:s22], s20  }
0x9f: {  	s4 =	ssub.s32 $0x0, s20;
	[sflag:s22] =	ssyncset.done $0x0  }
0xa0: {  	[sflag:s22] =	ssyncadd.s32 s4;
	_ =	sdelay $0x1  }
0xa1: {  	s23 =	simm.s32 $0x1B8B  }
0xa2: {  	_ =	swait.ge [sflag:s23], $0x1  }
0xa3: {  	[sflag:s23] =	ssyncset.done $0x0  }
0xa4: {  	s25 =	simm.s32 $0x1B8E;
	s24 =	sld [smem:$0x3FFE];
	[sflag:s23] =	ssyncadd.s32 $0xFFFFFFFF  }
0xa5: {  	s26 =	simm.s32 $execute0_lowered;
	[smem:$0x3FD2] =	sst s25  }
0xa6: {  	s5 =	sshll.u32 s26, $0x1;
	_ =	strace $0x80000046;
	[dreg:$0x1] =	wrdreg $0xFFFFFFFF  }
0xa7: {  	s28 =	simm.s32 $_size_execute0_lowered;
	s3 =	sadd.s32 s3, s5;
	[dreg:$0x0] =	wrdreg $0x0  }
0xa8: {  	s5 =	sshll.u32 s28, $0x1;
	[dreg:$0x2] =	wrdreg s3  }
0xa9: {  	[dreg:$0x3] =	wrdreg s5  }
0xaa: {  	[dreg:$0x4] =	wrdreg $0xC0  }
0xab: {  	_ =	task [dreg:s7], $0x5FFFF  }
0xac: {  	[dreg:$0x1] =	wrdreg $0xFFFFFFFF  }
0xad: {  	[dreg:$0x0] =	wrdreg $0x60  }
0xae: {  	[dreg:$0x2] =	wrdreg s24  }
0xaf: {  	[dreg:$0x3] =	wrdreg s2  }
0xb0: {  	[dreg:$0x4] =	wrdreg $0x90000  }
0xb1: {  	[dreg:$0x5] =	wrdreg $0x9  }
0xb2: {  	_ =	task.clear_ibuf [dreg:s7], $0x6FFFF;
	_ =	strace $0x90000046  }
0xb3: {  	s29 =	simm.s32 $0x9;
	_ =	strace $0x80000048  }
0xb4: {  	_ =	swait.ge [sflag:s29], $0x1  }
0xb5: {  	[sflag:s29] =	ssyncadd.s32 $0xFFFFFFFF  }
0xb6: {  	_ =	strace $0x90000048  }
0xb7: {  	_ =	sfence  }
0xb8: {  	s30 =	sld [smem:$0x0];
	_ =	sdelay $0x2  }
0xb9: {  	s31 =	sshll.u32 s1, $0xD;
	s1 =	sshrl.u32 s1, $0x2  }
0xba: {  	s3 =	sand.u32 $0x4000, s31;
	s1 =	sadd.s32 s1, s30  }
0xbb: {  	s0 =	sor.u32 s3, s0;
	s1 =	sshll.u32 s1, $0x11  }
0xbc: {  	s0 =	sor.u32 s1, s0  }
0xbd: {  	s0 =	sadd.s32 $0x8F2B, s0  }
0xbe: {  	[sflag:s0] =	ssyncadd.remote.s32 $0x1  }
0xbf: {  	_ =	sfence.sel $0xFFFF  }
0xc0: {  	[dreg:$0x0] =	wrdreg $0xFFFFFFFF;
	(pc) =	sbr.abs _section_cstart, $3  }
0xc1: {  	[dreg:$0x1] =	wrdreg $0xFFFFFFFF  }
0xc2: {  	_ =	task.clear_ibuf [dreg:s7], $0x2FFFF;
	_ =	strace $0x9FFFFFFF  }
0xc3: {  	(tm) =	ssettm $0x7FFFFFFF  }
tec
execute0_lowered:
.L_overlay_start_1:
0x0: {  	(tag) =	ssettag $0x1  }
0x1: {  	s5 =	rddreg [dreg:$0x0]  }
0x2: {  	s6 =	rddreg [dreg:$0x1]  }
0x3: {  	s2 =	rddreg [dreg:$0x2];
	s3 =	srdreg.scid  }
0x4: {  	s0 =	rddreg [dreg:$0x3];
	s1 =	stileid.u32;
	s15 =	simm.s32 $0x2800  }
0x5: {  	s16 =	simm.s32 $0x5000;
	s17 =	simm.s32 $0x80;
	s18 =	simm.s32 $0x1  }
0x6: {  	s21 =	simm.s32 $0x0;
	s7 =	sand.u32 $0x1, s3;
	s10 =	smul.u32 $0x14000, s1  }
0x7: {  	s3 =	simm.s32 $0x0;
	s4 =	sshll.u32 s1, $0x1;
	s30 =	smul.u32 $0x50000, s1  }
0x8: {  	s19 =	sshll.u32 s1, $0x6;
	s8 =	smul.u32 $0x140000, s7;
	[smem:$0x7FF] =	sst s3  }
0x9: {  	s9 =	sor.u32 s7, s4;
	s4 =	sadd.s32 $0xC000, s5;
	s7 =	ssub.s32 $0x2, s7  }
0xa: {  	s19 =	sor.u32 $0x1C02, s19;
	_ =	strace $0x80000047;
	s9 =	smul.u32 $0x500, s9  }
0xb: {  	s12 =	sshrl.u32 s7, $0x1;
	s31 =	sshrl.u32 s30, $0x2;
	s8 =	sadd.s32 s10, s8  }
0xc: {  	s14 =	ssub.s32 s7, s12;
	s7 =	sadd.s32 s31, s2;
	s11 =	sadd.s32 s9, s5  }
0xd: {  	s8 =	sshrl.u32 s8, $0x3;
	s10 =	sadd.s32 $0xC000, s7;
	s20 =	sshrl.u32 s7, $0x3  }
0xe: {  	s13 =	sadd.s32 s8, s5;
	s5 =	sadd.s32 s6, s9;
	s6 =	sadd.s32 $0x2000, s11  }
0xf: {  	s8 =	sadd.s32 $0x4000, s7;
	s9 =	sadd.s32 $0x8000, s7;
	s11 =	sadd.s32 $0x10000, s7  }
0x10: {  	v0 =	vimm.f32 $0.0e+00;
	s12 =	sadd.s32 $0xCF600, s13;
	s13 =	smax.u32 s14, $0x1;
	s14 =	simm.s32 $0x2  }
.LBB2_1:
0x11: {  	[tilespmem:s3], [sflag:$0x2] =	stream.linear.gather [hbm4b:s5+s3], $0x2800, $0x38;
	[tilespmem:$0x1D000] =	vst v63  }
0x12: {  	_ =	swait.ge [sflag:s14], $0x2800  }
0x13: {  	[sflag:s14] =	ssyncset.done $0x0  }
0x14: {  	[sflag:s14] =	ssyncadd.s32 $0xFFFFD800  }
0x15: {  	[tilespmem:s15], [sflag:$0x2] =	stream.linear.gather [hbm4b:s6+s3], $0x2800, $0x38;
	[tilespmem:$0x1D000] =	vst v63  }
0x16: {  	_ =	swait.ge [sflag:s14], $0x2800  }
0x17: {  	[sflag:s14] =	ssyncset.done $0x0  }
0x18: {  	s22 =	simm.s32 $0x0;
	s23 =	simm.s32 $0x200;
	[sflag:s14] =	ssyncadd.s32 $0xFFFFD800  }
.LBB2_2:
0x19: {  	p0 =	sne.s32 s23, $0xFE00;
	[tilespmem:s22+$0x5070] =	vst v0  }
0x1a: {  	[tilespmem:s22+$0x5000] =	vst v0  }
0x1b: {  	[tilespmem:s22+$0x5010] =	vst v0  }
.Ltmp0:
0x1c: {  	[tilespmem:s22+$0x5020] =	vst v0;
	(pc) =	sbr.rel @p0 .LBB2_2-.Ltmp0, $4  }
0x1d: {  	[tilespmem:s22+$0x5030] =	vst v0  }
0x1e: {  	[tilespmem:s22+$0x5040] =	vst v0  }
0x1f: {  	[tilespmem:s22+$0x5050] =	vst v0  }
0x20: {  	[tilespmem:s22+$0x5060] =	vst v0;
	s22 =	sshra.s32 s23, $0x2;
	s23 =	sadd.s32 $0x200, s23  }
0x21: {  	[tilespmem:s22+$0x5070] =	vst v0  }
0x22: {  	[tilespmem:s22+$0x5000] =	vst v0  }
0x23: {  	[tilespmem:s22+$0x5010] =	vst v0  }
0x24: {  	[tilespmem:s22+$0x5020] =	vst v0  }
0x25: {  	[tilespmem:s22+$0x5030] =	vst v0  }
0x26: {  	[tilespmem:s22+$0x5040] =	vst v0  }
0x27: {  	[tilespmem:s22+$0x5050] =	vst v0  }
0x28: {  	[tilespmem:s22+$0x5060] =	vst v0  }
0x29: {  	[spmem:s7] =	stream.linear.scatter [tilespmem:s16], [sflag:$0x2], $0x4000, $0x38;
	[tilespmem:$0x1D000] =	vst v63  }
0x2a: {  	_ =	swait.ge [sflag:s14], $0x4000  }
0x2b: {  	[sflag:s14] =	ssyncset.done $0x0  }
0x2c: {  	[sflag:s14] =	ssyncadd.s32 $0xFFFFC000  }
0x2d: {  	[spmem:s8] =	stream.linear.scatter [tilespmem:s16], [sflag:$0x2], $0x4000, $0x38;
	[tilespmem:$0x1D000] =	vst v63  }
0x2e: {  	_ =	swait.ge [sflag:s14], $0x4000  }
0x2f: {  	[sflag:s14] =	ssyncset.done $0x0  }
0x30: {  	[sflag:s14] =	ssyncadd.s32 $0xFFFFC000  }
0x31: {  	[spmem:s9] =	stream.linear.scatter [tilespmem:s16], [sflag:$0x2], $0x4000, $0x38;
	[tilespmem:$0x1D000] =	vst v63  }
0x32: {  	_ =	swait.ge [sflag:s14], $0x4000  }
0x33: {  	[sflag:s14] =	ssyncset.done $0x0  }
0x34: {  	[sflag:s14] =	ssyncadd.s32 $0xFFFFC000  }
0x35: {  	[spmem:s10] =	stream.linear.scatter [tilespmem:s16], [sflag:$0x2], $0x4000, $0x38;
	[tilespmem:$0x1D000] =	vst v63  }
0x36: {  	_ =	swait.ge [sflag:s14], $0x4000  }
0x37: {  	[sflag:s14] =	ssyncset.done $0x0  }
0x38: {  	[sflag:s14] =	ssyncadd.s32 $0xFFFFC000  }
0x39: {  	[spmem:s11] =	stream.linear.scatter [tilespmem:s16], [sflag:$0x2], $0x4000, $0x38;
	[tilespmem:$0x1D000] =	vst v63  }
0x3a: {  	_ =	swait.ge [sflag:s14], $0x4000  }
0x3b: {  	[sflag:s14] =	ssyncset.done $0x0  }
0x3c: {  	[sflag:s14] =	ssyncadd.s32 $0xFFFFC000  }
0x3d: {  	s30 =	simm.s32 $0x0;
	[bflag:$0x0] =	sbarrier.arrive $0xFFFF  }
0x3e: {  	[tilespmem:s16], [sflag:$0x1] =	stream.indirect.gather [hbm4b:s4+s17], $0x80, s30, s17, $0xb8;
	[tilespmem:$0x1D000] =	vst v63  }
0x3f: {  	_ =	swait.ge [sflag:s18], $0x4000  }
0x40: {  	[sflag:s18] =	ssyncset.done $0x0  }
0x41: {  	s31 =	simm.s32 $0x2800;
	[sflag:s18] =	ssyncadd.s32 $0xFFFFC000  }
0x42: {  	[spmem:s2] =	stream.indirect.scatter.add.f32 [tilespmem:s16], [sflag:$0x2], $0x80, s31, s17, $0xb8;
	[tilespmem:$0x1D000] =	vst v63  }
0x43: {  	_ =	swait.ge [sflag:s14], $0x4000  }
0x44: {  	s22 =	simm.s32 $0x200;
	s23 =	simm.s32 $0x400;
	[sflag:s14] =	ssyncset.done $0x0  }
.LBB2_4:
0x45: {  	s24 =	sshra.s32 s22, $0x2  }
0x46: {  	[sflag:s14] =	ssyncadd.s32 $0xFFFFC000;
	s22 =	smov.u32 s23;
	s25 =	sadd.s32 $0x200, s23  }
0x47: {  	[tilespmem:s16], [sflag:$0x1] =	stream.indirect.gather [hbm4b:s4+s17], $0x80, s24, s17, $0xb8;
	[tilespmem:$0x1D000] =	vst v63  }
0x48: {  	p0 =	sne.s32 s23, $0x9E00;
	_ =	swait.ge [sflag:s18], $0x4000  }
.Ltmp1:
0x49: {  	[sflag:s18] =	ssyncset.done $0x0;
	(pc) =	sbr.rel @p0 .LBB2_4-.Ltmp1, $4  }
0x4a: {  	s23 =	sadd.s32 $0x2800, s24;
	[sflag:s18] =	ssyncadd.s32 $0xFFFFC000  }
0x4b: {  	[spmem:s2] =	stream.indirect.scatter.add.f32 [tilespmem:s16], [sflag:$0x2], $0x80, s23, s17, $0xb8;
	[tilespmem:$0x1D000] =	vst v63  }
0x4c: {  	_ =	swait.ge [sflag:s14], $0x4000  }
0x4d: {  	s23 =	smov.u32 s25;
	[sflag:s14] =	ssyncset.done $0x0  }
0x4e: {  	s22 =	sshra.s32 s22, $0x2;
	[sflag:s14] =	ssyncadd.s32 $0xFFFFC000  }
0x4f: {  	[tilespmem:s16], [sflag:$0x1] =	stream.indirect.gather [hbm4b:s4+s17], $0x80, s22, s17, $0xb8;
	[tilespmem:$0x1D000] =	vst v63  }
0x50: {  	_ =	swait.ge [sflag:s18], $0x4000  }
0x51: {  	[sflag:s18] =	ssyncset.done $0x0  }
0x52: {  	s22 =	sadd.s32 $0x2800, s22;
	[sflag:s18] =	ssyncadd.s32 $0xFFFFC000  }
0x53: {  	[spmem:s2] =	stream.indirect.scatter.add.f32 [tilespmem:s16], [sflag:$0x2], $0x80, s22, s17, $0xb8;
	[tilespmem:$0x1D000] =	vst v63  }
0x54: {  	_ =	swait.ge [sflag:s14], $0x4000  }
0x55: {  	s21 =	sadd.s32 $0x1, s21;
	[sflag:s14] =	ssyncset.done $0x0  }
0x56: {  	p0 =	sne.s32 s21, s13;
	[sflag:s14] =	ssyncadd.s32 $0xFFFFC000  }
.Ltmp2:
0x57: {  	[bflag:$0x0] =	sbarrier.arrive $0xFFFF;
	(pc) =	sbr.rel @p0 .LBB2_1-.Ltmp2, $4  }
0x58: {  	[hbm:s12], [sflag:s19] =	dma.local [spmem:s20], $0x2800  }
0x59: {  	_ =	swait.ge [sflag:s14], $0x2800  }
0x5a: {  	[sflag:s14] =	ssyncset.done $0x0  }
0x5b: {  	[sflag:s14] =	ssyncadd.s32 $0xFFFFD800  }
0x5c: {  	_ =	sfence.sel $0x180000  }
0x5d: {  	[bflag:$0x0] =	sbarrier.arrive $0xFFFF  }
0x5e: {  	p0 =	sne.s32 s1, $0x0;
	_ =	strace $0x90000047  }
0x5f: {  	s0 =	sadd.s32 @!p0 $0x100000, s0;
	[bflag:$0x2] =	sbarrier.arrive $0xFFFF  }
0x60: {  	[sflag:s0] =	ssyncadd.tile.s32 @!p0 $0x1;
	_ =	shalt  }
.Lfunc_end2:
_tile_overlayer_lowered:
.L_overlay_start_2:
0x61: {  	(tag) =	ssettag $0x2  }
0x62: {  	s0 =	rddreg [dreg:$0x0];
	s2 =	stileid.u32  }
0x63: {  	s1 =	rddreg [dreg:$0x1];
	p0 =	sne.s32 s2, $0x0  }
0x64: {  	s3 =	rddreg [dreg:$0x2];
	[bflag:$0x3] =	sbarrier.arrive $0xFFFF;
	s2 =	simm.s32 @!p0 $0x1C02  }
0x65: {  	[timem:s3], [sflag:s2] =	dma.local @!p0 [hbm:s0], s1  }
0x66: {  	s0 =	simm.s32 @!p0 $0x2  }
0x67: {  	_ =	swait.ge @!p0 [sflag:s0], s1  }
0x68: {  	s1 =	ssub.s32 @!p0 $0x0, s1;
	[sflag:s0] =	ssyncset.done @!p0 $0x0  }
0x69: {  	[sflag:s0] =	ssyncadd.s32 @!p0 s1  }
0x6a: {  	[bflag:$0x3] =	sbarrier.arrive $0xFFFF  }
0x6b: {  	_ =	shalt  }

</sc_bundles>
